<compile_context>
chip_gen: v7x
topology: tpu7x:2x2x1
jax: 0.10.2.dev20260603
libtpu: 0.0.44.dev20260713+nightly
codegen_flags: <defaults>
</compile_context>

<pallas_src>
import functools
import jax
import jax.numpy as jnp
from jax import lax
from jax.experimental import pallas as pl
from jax.experimental.pallas import tpu as pltpu
from jax.experimental.pallas import tpu_sc as plsc

_NC, _NS = 2, 16
_NW = _NC * _NS
_ROWS = 4


def _sc_body(n_, c_, h_, w_, tgt_hbm, wtab_hbm, ii_hbm, zero_hbm, out_hbm,
             tgtv0, tgtv1, obuf0, obuf1, wtabv, iiv, sem_in0, sem_in1,
             sem_out0, sem_out1):
    wid = lax.axis_index("s") * _NC + lax.axis_index("c")
    px = _ROWS * w_
    items_total = n_ * (h_ // _ROWS)
    items_per_w = items_total // _NW
    ngrp = px // 16
    hw = h_ * w_
    chw = c_ * hw

    tgts = (tgtv0, tgtv1)
    obufs = (obuf0, obuf1)
    sems_in = (sem_in0, sem_in1)
    sems_out = (sem_out0, sem_out1)

    pltpu.sync_copy(zero_hbm, obuf0)
    pltpu.sync_copy(zero_hbm, obuf1)
    pltpu.sync_copy(tgt_hbm.at[pl.ds(0, px)], tgtv0)
    pltpu.sync_copy(tgt_hbm.at[pl.ds(0, px)], tgtv1)
    pltpu.sync_copy(wtab_hbm, wtabv)
    pltpu.sync_copy(ii_hbm, iiv)

    ii_vec = iiv[...]
    lane = jax.lax.iota(jnp.int32, 16)

    def scatter_pass(tgt_ref, obuf_ref, value_from_table):
        def grp(i, _):
            t = tgt_ref[pl.ds(i * 16, 16)]
            tcl = jnp.clip(t, 0, c_ - 1)
            mask = t != ii_vec
            p = i * 16 + lane
            idx = tcl * px + p
            if value_from_table:
                val = plsc.load_gather(wtabv, [tcl])
            else:
                val = jnp.zeros((16,), jnp.float32)
            plsc.store_scatter(obuf_ref, [idx], val, mask=mask)
            return 0
        lax.fori_loop(0, ngrp, grp, 0)

    def item_pair(kk, _):
        for b in range(2):
            k = kk * 2 + b
            g = wid * items_per_w + k
            n = g // (h_ // _ROWS)
            hc = lax.rem(g, h_ // _ROWS)
            scatter_pass(tgts[b], obufs[b], value_from_table=False)
            cp_in = pltpu.async_copy(
                tgt_hbm.at[pl.ds(g * px, px)], tgts[b], sems_in[b])
            cp_in.wait()
            scatter_pass(tgts[b], obufs[b], value_from_table=True)
            base = n * chw + hc * (_ROWS * w_)
            cps = []
            for c in range(c_):
                cps.append(pltpu.async_copy(
                    obufs[b].at[pl.ds(c * px, px)],
                    out_hbm.at[pl.ds(base + c * hw, px)],
                    sems_out[b]))
            for cp in cps:
                cp.wait()
        return 0

    lax.fori_loop(0, items_per_w // 2, item_pair, 0)


def kernel(grad_output, x, target, weight, reduction, ignore_index, total_weight):
    n_, c_, h_, w_ = x.shape
    scal = jnp.where(reduction == 1, grad_output / total_weight, grad_output)
    wtab = jnp.zeros((32,), jnp.float32).at[:c_].set(
        -jnp.asarray(weight, jnp.float32) * scal)
    ii16 = jnp.full((16,), ignore_index, jnp.int32)
    px = _ROWS * w_
    zeros = jnp.zeros((c_ * px,), jnp.float32)
    tflat = target.reshape(-1)

    mesh = plsc.VectorSubcoreMesh(core_axis_name="c", subcore_axis_name="s")
    out = pl.kernel(
        functools.partial(_sc_body, n_, c_, h_, w_),
        out_type=jax.ShapeDtypeStruct((n_ * c_ * h_ * w_,), jnp.float32),
        mesh=mesh,
        scratch_types=[
            pltpu.VMEM((px,), jnp.int32),
            pltpu.VMEM((px,), jnp.int32),
            pltpu.VMEM((c_ * px,), jnp.float32),
            pltpu.VMEM((c_ * px,), jnp.float32),
            pltpu.VMEM((32,), jnp.float32),
            pltpu.VMEM((16,), jnp.int32),
            pltpu.SemaphoreType.DMA,
            pltpu.SemaphoreType.DMA,
            pltpu.SemaphoreType.DMA,
            pltpu.SemaphoreType.DMA,
        ],
        compiler_params=pltpu.CompilerParams(needs_layout_passes=False),
    )(tflat, wtab, ii16, zeros)
    return out.reshape(n_, c_, h_, w_)

# --- scband reference (transcript-rebuilt; emitter-appended) ---
"""Pipeline reference for scband-torch-ops-aten-nll-loss2-dbackward-module-53987738910850 (READ-ONLY COPY).

The authoritative reference and input builder live on the scoring server;
editing this copy changes nothing except your own understanding.
"""

import jax, jax.numpy as jnp
import numpy as np

N, C, H, W = 8, 21, 512, 512

def setup_inputs(seed: int = 0) -> dict:
    key = jax.random.key(seed)
    k1, k2, k3, k4 = jax.random.split(key, 4)
    grad_output = jax.random.normal(k1, (), dtype=jnp.float32)
    x = jax.random.normal(k2, (N, C, H, W), dtype=jnp.float32)
    target = jax.random.randint(k3, (N, H, W), 0, 21, dtype=jnp.int32)
    weight = jax.random.uniform(k4, (C,), dtype=jnp.float32)
    total_weight = jnp.ones((), dtype=jnp.float32)
    return {
        "grad_output": grad_output,
        "x": x,
        "target": target,
        "weight": weight,
        "reduction": 1,
        "ignore_index": 255,
        "total_weight": total_weight,
    }

def reference(grad_output, x, target, weight, reduction, ignore_index, total_weight):
    # Faithful translation of aten.nll_loss2d_backward.
    # grad_input[n, target[n,h,w], h, w] = -weight[target] * g  (0 where target == ignore_index)
    # g = grad_output / total_weight for reduction=mean(1), grad_output for sum(2),
    # and the elementwise grad_output[n,h,w] for reduction=none(0).
    n_, c_, h_, w_ = x.shape
    mask = (target != ignore_index)
    tc = jnp.clip(target, 0, c_ - 1)
    w_t = jnp.take(weight, tc) * mask.astype(weight.dtype)  # [N,H,W] gather
    g = jnp.where(reduction == 1, grad_output / total_weight, grad_output)
    val = -(w_t * g)  # [N,H,W]
    n_idx = jnp.arange(n_)[:, None, None]
    h_idx = jnp.arange(h_)[None, :, None]
    w_idx = jnp.arange(w_)[None, None, :]
    grad_input = jnp.zeros((n_, c_, h_, w_), dtype=x.dtype).at[n_idx, tc, h_idx, w_idx].set(val)
    return grad_input

if __name__ == "__main__":
    import jax
    _d = setup_inputs()
    print(jax.jit(kernel)(*tuple(_d.values())))

</pallas_src>

<mosaic_0001>
#map = affine_map<(d0, d1) -> (0)>
module attributes {stable_mosaic.version = 14 : i64} {
  func.func @_sc_body(%arg0: i32, %arg1: i32, %arg2: memref<2097152xi32, #tpu.memory_space<hbm>>, %arg3: memref<32xf32, #tpu.memory_space<hbm>>, %arg4: memref<16xi32, #tpu.memory_space<hbm>>, %arg5: memref<43008xf32, #tpu.memory_space<hbm>>, %arg6: memref<44040192xf32, #tpu.memory_space<hbm>>, %arg7: memref<2048xi32, #tpu.memory_space<vmem>>, %arg8: memref<2048xi32, #tpu.memory_space<vmem>>, %arg9: memref<43008xf32, #tpu.memory_space<vmem>>, %arg10: memref<43008xf32, #tpu.memory_space<vmem>>, %arg11: memref<32xf32, #tpu.memory_space<vmem>>, %arg12: memref<16xi32, #tpu.memory_space<vmem>>, %arg13: memref<!tpu.dma_semaphore, #tpu.memory_space<semaphore_mem>>, %arg14: memref<!tpu.dma_semaphore, #tpu.memory_space<semaphore_mem>>, %arg15: memref<!tpu.dma_semaphore, #tpu.memory_space<semaphore_mem>>, %arg16: memref<!tpu.dma_semaphore, #tpu.memory_space<semaphore_mem>>) attributes {dimension_semantics = [#tpu.dimension_semantics<core_parallel>, #tpu.dimension_semantics<subcore_parallel>], iteration_bounds = array<i64: 2, 16>, scalar_prefetch = 0 : i64, scratch_operands = 10 : i64, tpu.core_type = #tpu.core_type<sc_vector_subcore>, window_params = [{transform_indices = #map}, {transform_indices = #map}, {transform_indices = #map}, {transform_indices = #map}, {transform_indices = #map}]} {
    %mul3A = arith.constant 2 : i32
    %mul3A_0 = arith.muli %arg1, %mul3A : i32
    %add3A = arith.addi %mul3A_0, %arg0 : i32
    "tpu.region"() ({
      %run_scoped3A = tpu.sem_alloc : memref<!tpu.dma_semaphore, #tpu.memory_space<semaphore_mem>>
      tpu.enqueue_dma source(%arg5 : memref<43008xf32, #tpu.memory_space<hbm>>) target(%arg9 : memref<43008xf32, #tpu.memory_space<vmem>>) target_semaphore(%run_scoped3A : memref<!tpu.dma_semaphore, #tpu.memory_space<semaphore_mem>>)
      tpu.wait_dma2 semaphore(%run_scoped3A : memref<!tpu.dma_semaphore, #tpu.memory_space<semaphore_mem>>) src(%arg5 : memref<43008xf32, #tpu.memory_space<hbm>>) dst(%arg9 : memref<43008xf32, #tpu.memory_space<vmem>>)
      tpu.yield
    }) : () -> ()
    "tpu.region"() ({
      %run_scoped3A = tpu.sem_alloc : memref<!tpu.dma_semaphore, #tpu.memory_space<semaphore_mem>>
      tpu.enqueue_dma source(%arg5 : memref<43008xf32, #tpu.memory_space<hbm>>) target(%arg10 : memref<43008xf32, #tpu.memory_space<vmem>>) target_semaphore(%run_scoped3A : memref<!tpu.dma_semaphore, #tpu.memory_space<semaphore_mem>>)
      tpu.wait_dma2 semaphore(%run_scoped3A : memref<!tpu.dma_semaphore, #tpu.memory_space<semaphore_mem>>) src(%arg5 : memref<43008xf32, #tpu.memory_space<hbm>>) dst(%arg10 : memref<43008xf32, #tpu.memory_space<vmem>>)
      tpu.yield
    }) : () -> ()
    "tpu.region"() ({
      %run_scoped3A = tpu.sem_alloc : memref<!tpu.dma_semaphore, #tpu.memory_space<semaphore_mem>>
      %dma_start3A = arith.constant 0 : i32
      %dma_start3A_8 = tpu.memref_slice %arg2[%dma_start3A] : memref<2097152xi32, #tpu.memory_space<hbm>> -> memref<2048xi32, #tpu.memory_space<hbm>>
      %dma_start3A_9 = arith.constant 0 : i32
      %dma_start3A_10 = tpu.memref_slice %arg2[%dma_start3A_9] : memref<2097152xi32, #tpu.memory_space<hbm>> -> memref<2048xi32, #tpu.memory_space<hbm>>
      tpu.enqueue_dma source(%dma_start3A_10 : memref<2048xi32, #tpu.memory_space<hbm>>) target(%arg7 : memref<2048xi32, #tpu.memory_space<vmem>>) target_semaphore(%run_scoped3A : memref<!tpu.dma_semaphore, #tpu.memory_space<semaphore_mem>>)
      %dma_wait3A = arith.constant 0 : i32
      %dma_wait3A_11 = tpu.memref_slice %arg2[%dma_wait3A] : memref<2097152xi32, #tpu.memory_space<hbm>> -> memref<2048xi32, #tpu.memory_space<hbm>>
      %dma_wait3A_12 = arith.constant 0 : i32
      %dma_wait3A_13 = tpu.memref_slice %arg2[%dma_wait3A_12] : memref<2097152xi32, #tpu.memory_space<hbm>> -> memref<2048xi32, #tpu.memory_space<hbm>>
      tpu.wait_dma2 semaphore(%run_scoped3A : memref<!tpu.dma_semaphore, #tpu.memory_space<semaphore_mem>>) src(%dma_wait3A_13 : memref<2048xi32, #tpu.memory_space<hbm>>) dst(%arg7 : memref<2048xi32, #tpu.memory_space<vmem>>)
      tpu.yield
    }) : () -> ()
    "tpu.region"() ({
      %run_scoped3A = tpu.sem_alloc : memref<!tpu.dma_semaphore, #tpu.memory_space<semaphore_mem>>
      %dma_start3A = arith.constant 0 : i32
      %dma_start3A_8 = tpu.memref_slice %arg2[%dma_start3A] : memref<2097152xi32, #tpu.memory_space<hbm>> -> memref<2048xi32, #tpu.memory_space<hbm>>
      %dma_start3A_9 = arith.constant 0 : i32
      %dma_start3A_10 = tpu.memref_slice %arg2[%dma_start3A_9] : memref<2097152xi32, #tpu.memory_space<hbm>> -> memref<2048xi32, #tpu.memory_space<hbm>>
      tpu.enqueue_dma source(%dma_start3A_10 : memref<2048xi32, #tpu.memory_space<hbm>>) target(%arg8 : memref<2048xi32, #tpu.memory_space<vmem>>) target_semaphore(%run_scoped3A : memref<!tpu.dma_semaphore, #tpu.memory_space<semaphore_mem>>)
      %dma_wait3A = arith.constant 0 : i32
      %dma_wait3A_11 = tpu.memref_slice %arg2[%dma_wait3A] : memref<2097152xi32, #tpu.memory_space<hbm>> -> memref<2048xi32, #tpu.memory_space<hbm>>
      %dma_wait3A_12 = arith.constant 0 : i32
      %dma_wait3A_13 = tpu.memref_slice %arg2[%dma_wait3A_12] : memref<2097152xi32, #tpu.memory_space<hbm>> -> memref<2048xi32, #tpu.memory_space<hbm>>
      tpu.wait_dma2 semaphore(%run_scoped3A : memref<!tpu.dma_semaphore, #tpu.memory_space<semaphore_mem>>) src(%dma_wait3A_13 : memref<2048xi32, #tpu.memory_space<hbm>>) dst(%arg8 : memref<2048xi32, #tpu.memory_space<vmem>>)
      tpu.yield
    }) : () -> ()
    "tpu.region"() ({
      %run_scoped3A = tpu.sem_alloc : memref<!tpu.dma_semaphore, #tpu.memory_space<semaphore_mem>>
      tpu.enqueue_dma source(%arg3 : memref<32xf32, #tpu.memory_space<hbm>>) target(%arg11 : memref<32xf32, #tpu.memory_space<vmem>>) target_semaphore(%run_scoped3A : memref<!tpu.dma_semaphore, #tpu.memory_space<semaphore_mem>>)
      tpu.wait_dma2 semaphore(%run_scoped3A : memref<!tpu.dma_semaphore, #tpu.memory_space<semaphore_mem>>) src(%arg3 : memref<32xf32, #tpu.memory_space<hbm>>) dst(%arg11 : memref<32xf32, #tpu.memory_space<vmem>>)
      tpu.yield
    }) : () -> ()
    "tpu.region"() ({
      %run_scoped3A = tpu.sem_alloc : memref<!tpu.dma_semaphore, #tpu.memory_space<semaphore_mem>>
      tpu.enqueue_dma source(%arg4 : memref<16xi32, #tpu.memory_space<hbm>>) target(%arg12 : memref<16xi32, #tpu.memory_space<vmem>>) target_semaphore(%run_scoped3A : memref<!tpu.dma_semaphore, #tpu.memory_space<semaphore_mem>>)
      tpu.wait_dma2 semaphore(%run_scoped3A : memref<!tpu.dma_semaphore, #tpu.memory_space<semaphore_mem>>) src(%arg4 : memref<16xi32, #tpu.memory_space<hbm>>) dst(%arg12 : memref<16xi32, #tpu.memory_space<vmem>>)
      tpu.yield
    }) : () -> ()
    %get3A = arith.constant 0 : index
    %get3A_1 = tpu.vector_load %arg12[%get3A] {strides = array<i32>} : memref<16xi32, #tpu.memory_space<vmem>>, vector<16xi32>,
    %iota3A = tpu.iota {dimensions = array<i32: 0>} : vector<16xi32>
    %scan3A = arith.constant 0 : i32
    %scan3A_2 = arith.constant 0 : i32
    %scan3A_3 = arith.constant 16 : i32
    %scan3A_4 = arith.addi %scan3A_2, %scan3A_3 : i32
    %scan3A_5 = arith.constant 1 : i32
    %scan3A_6 = scf.for %scan3A_8 = %scan3A_2 to %scan3A_4 step %scan3A_5 iter_args(%scan3A_9 = %scan3A) -> (i32)  : i32 {
      %mul3A_10 = arith.constant 2 : i32
      %mul3A_11 = arith.muli %scan3A_8, %mul3A_10 : i32
      %add3A_12 = arith.constant 0 : i32
      %add3A_13 = arith.addi %mul3A_11, %add3A_12 : i32
      %mul3A_14 = arith.constant 32 : i32
      %mul3A_15 = arith.muli %add3A, %mul3A_14 : i32
      %add3A_16 = arith.addi %mul3A_15, %add3A_13 : i32
      %jit3A = arith.constant 128 : i32
      %div3A = arith.divsi %add3A_16, %jit3A : i32
      %sign3A = arith.constant 0 : i32
      %sign3A_17 = arith.cmpi sgt, %add3A_16, %sign3A : i32
      %sign3A_18 = arith.extui %sign3A_17 : i1 to i32
      %sign3A_19 = arith.constant 0 : i32
      %sign3A_20 = arith.cmpi slt, %add3A_16, %sign3A_19 : i32
      %sign3A_21 = arith.extui %sign3A_20 : i1 to i32
      %sign3A_22 = arith.subi %sign3A_18, %sign3A_21 : i32
      %sign3A_23 = arith.constant 0 : i32
      %sign3A_24 = arith.cmpi sgt, %jit3A, %sign3A_23 : i32
      %sign3A_25 = arith.extui %sign3A_24 : i1 to i32
      %sign3A_26 = arith.constant 0 : i32
      %sign3A_27 = arith.cmpi slt, %jit3A, %sign3A_26 : i32
      %sign3A_28 = arith.extui %sign3A_27 : i1 to i32
      %sign3A_29 = arith.subi %sign3A_25, %sign3A_28 : i32
      %ne3A = arith.cmpi ne, %sign3A_22, %sign3A_29 : i32
      %rem3A = arith.remsi %add3A_16, %jit3A : i32
      %ne3A_30 = arith.constant 0 : i32
      %ne3A_31 = arith.cmpi ne, %rem3A, %ne3A_30 : i32
      %and3A = arith.andi %ne3A, %ne3A_31 : i1
      %sub3A = arith.constant 1 : i32
      %sub3A_32 = arith.subi %div3A, %sub3A : i32
      %select_n3A = arith.select %and3A, %sub3A_32, %div3A : i32
      %rem3A_33 = arith.constant 128 : i32
      %rem3A_34 = arith.remsi %add3A_16, %rem3A_33 : i32
      %scan3A_35 = arith.constant 0 : i32
      %scan3A_36 = arith.constant 0 : i32
      %scan3A_37 = arith.constant 128 : i32
      %scan3A_38 = arith.addi %scan3A_36, %scan3A_37 : i32
      %scan3A_39 = arith.constant 1 : i32
      %scan3A_40 = scf.for %scan3A_705 = %scan3A_36 to %scan3A_38 step %scan3A_39 iter_args(%scan3A_706 = %scan3A_35) -> (i32)  : i32 {
        %mul3A_707 = arith.constant 16 : i32
        %mul3A_708 = arith.muli %scan3A_705, %mul3A_707 : i32
        %get3A_709 = arith.index_cast %mul3A_708 : i32 to index
        %get3A_710 = tpu.vector_load %arg7[%get3A_709] {strides = array<i32>} : memref<2048xi32, #tpu.memory_space<vmem>>, vector<16xi32>,
        %jit3A_711 = arith.constant 0 : i32
        %jit3A_712 = arith.constant 20 : i32
        %max3A = vector.broadcast %jit3A_711 : i32 to vector<16xi32>
        %max3A_713 = arith.maxsi %max3A, %get3A_710 : vector<16xi32>
        %min3A = vector.broadcast %jit3A_712 : i32 to vector<16xi32>
        %min3A_714 = arith.minsi %min3A, %max3A_713 : vector<16xi32>
        %ne3A_715 = arith.cmpi ne, %get3A_710, %get3A_1 : vector<16xi32>
        %mul3A_716 = arith.constant 16 : i32
        %mul3A_717 = arith.muli %scan3A_705, %mul3A_716 : i32
        %add3A_718 = vector.broadcast %mul3A_717 : i32 to vector<16xi32>
        %add3A_719 = arith.addi %add3A_718, %iota3A : vector<16xi32>
        %mul3A_720 = arith.constant 2048 : i32
        %mul3A_721 = vector.broadcast %mul3A_720 : i32 to vector<16xi32>
        %mul3A_722 = arith.muli %min3A_714, %mul3A_721 : vector<16xi32>
        %add3A_723 = arith.addi %mul3A_722, %add3A_719 : vector<16xi32>
        %broadcast_in_dim3A = arith.constant 0.000000e+00 : f32
        %broadcast_in_dim3A_724 = vector.broadcast %broadcast_in_dim3A : f32 to vector<16xf32>
        tpu.vector_store_idx %arg9[%add3A_723], %broadcast_in_dim3A_724 masked %ne3A_715 : memref<43008xf32, #tpu.memory_space<vmem>>[vector<16xi32>], vector<16xf32>, vector<16xi1>
        %scan3A_725 = arith.constant 0 : i32
        scf.yield %scan3A_725 : i32
      }
      %scan3A_41 = arith.constant 128 : i32
      %mul3A_42 = arith.constant 2048 : i32
      %mul3A_43 = arith.muli %add3A_16, %mul3A_42 : i32
      %dma_start3A = tpu.memref_slice %arg2[%mul3A_43] : memref<2097152xi32, #tpu.memory_space<hbm>> -> memref<2048xi32, #tpu.memory_space<hbm>>
      %dma_start3A_44 = tpu.memref_slice %arg2[%mul3A_43] : memref<2097152xi32, #tpu.memory_space<hbm>> -> memref<2048xi32, #tpu.memory_space<hbm>>
      tpu.enqueue_dma source(%dma_start3A_44 : memref<2048xi32, #tpu.memory_space<hbm>>) target(%arg7 : memref<2048xi32, #tpu.memory_space<vmem>>) target_semaphore(%arg13 : memref<!tpu.dma_semaphore, #tpu.memory_space<semaphore_mem>>)
      %dma_wait3A = tpu.memref_slice %arg2[%mul3A_43] : memref<2097152xi32, #tpu.memory_space<hbm>> -> memref<2048xi32, #tpu.memory_space<hbm>>
      %dma_wait3A_45 = tpu.memref_slice %arg2[%mul3A_43] : memref<2097152xi32, #tpu.memory_space<hbm>> -> memref<2048xi32, #tpu.memory_space<hbm>>
      tpu.wait_dma2 semaphore(%arg13 : memref<!tpu.dma_semaphore, #tpu.memory_space<semaphore_mem>>) src(%dma_wait3A_45 : memref<2048xi32, #tpu.memory_space<hbm>>) dst(%arg7 : memref<2048xi32, #tpu.memory_space<vmem>>)
      %scan3A_46 = arith.constant 0 : i32
      %scan3A_47 = arith.constant 0 : i32
      %scan3A_48 = arith.constant 128 : i32
      %scan3A_49 = arith.addi %scan3A_47, %scan3A_48 : i32
      %scan3A_50 = arith.constant 1 : i32
      %scan3A_51 = scf.for %scan3A_705 = %scan3A_47 to %scan3A_49 step %scan3A_50 iter_args(%scan3A_706 = %scan3A_46) -> (i32)  : i32 {
        %mul3A_707 = arith.constant 16 : i32
        %mul3A_708 = arith.muli %scan3A_705, %mul3A_707 : i32
        %get3A_709 = arith.index_cast %mul3A_708 : i32 to index
        %get3A_710 = tpu.vector_load %arg7[%get3A_709] {strides = array<i32>} : memref<2048xi32, #tpu.memory_space<vmem>>, vector<16xi32>,
        %jit3A_711 = arith.constant 0 : i32
        %jit3A_712 = arith.constant 20 : i32
        %max3A = vector.broadcast %jit3A_711 : i32 to vector<16xi32>
        %max3A_713 = arith.maxsi %max3A, %get3A_710 : vector<16xi32>
        %min3A = vector.broadcast %jit3A_712 : i32 to vector<16xi32>
        %min3A_714 = arith.minsi %min3A, %max3A_713 : vector<16xi32>
        %ne3A_715 = arith.cmpi ne, %get3A_710, %get3A_1 : vector<16xi32>
        %mul3A_716 = arith.constant 16 : i32
        %mul3A_717 = arith.muli %scan3A_705, %mul3A_716 : i32
        %add3A_718 = vector.broadcast %mul3A_717 : i32 to vector<16xi32>
        %add3A_719 = arith.addi %add3A_718, %iota3A : vector<16xi32>
        %mul3A_720 = arith.constant 2048 : i32
        %mul3A_721 = vector.broadcast %mul3A_720 : i32 to vector<16xi32>
        %mul3A_722 = arith.muli %min3A_714, %mul3A_721 : vector<16xi32>
        %add3A_723 = arith.addi %mul3A_722, %add3A_719 : vector<16xi32>
        %gather3A = tpu.vector_load_idx %arg11[%min3A_714] : memref<32xf32, #tpu.memory_space<vmem>>[vector<16xi32>], vector<16xf32>,
        tpu.vector_store_idx %arg9[%add3A_723], %gather3A masked %ne3A_715 : memref<43008xf32, #tpu.memory_space<vmem>>[vector<16xi32>], vector<16xf32>, vector<16xi1>
        %scan3A_724 = arith.constant 0 : i32
        scf.yield %scan3A_724 : i32
      }
      %scan3A_52 = arith.constant 128 : i32
      %mul3A_53 = arith.constant 5505024 : i32
      %mul3A_54 = arith.muli %select_n3A, %mul3A_53 : i32
      %mul3A_55 = arith.constant 2048 : i32
      %mul3A_56 = arith.muli %rem3A_34, %mul3A_55 : i32
      %add3A_57 = arith.addi %mul3A_54, %mul3A_56 : i32
      %add3A_58 = arith.constant 0 : i32
      %add3A_59 = arith.addi %add3A_57, %add3A_58 : i32
      %dma_start3A_60 = arith.constant 0 : i32
      %dma_start3A_61 = tpu.memref_slice %arg9[%dma_start3A_60] : memref<43008xf32, #tpu.memory_space<vmem>> -> memref<2048xf32, #tpu.memory_space<vmem>>
      %dma_start3A_62 = tpu.memref_slice %arg6[%add3A_59] : memref<44040192xf32, #tpu.memory_space<hbm>> -> memref<2048xf32, #tpu.memory_space<hbm>>
      %dma_start3A_63 = tpu.memref_slice %arg6[%add3A_59] : memref<44040192xf32, #tpu.memory_space<hbm>> -> memref<2048xf32, #tpu.memory_space<hbm>>
      %dma_start3A_64 = arith.constant 0 : i32
      %dma_start3A_65 = tpu.memref_slice %arg9[%dma_start3A_64] : memref<43008xf32, #tpu.memory_space<vmem>> -> memref<2048xf32, #tpu.memory_space<vmem>>
      tpu.enqueue_dma source(%dma_start3A_65 : memref<2048xf32, #tpu.memory_space<vmem>>) target(%dma_start3A_63 : memref<2048xf32, #tpu.memory_space<hbm>>) target_semaphore(%arg15 : memref<!tpu.dma_semaphore, #tpu.memory_space<semaphore_mem>>)
      %add3A_66 = arith.constant 262144 : i32
      %add3A_67 = arith.addi %add3A_57, %add3A_66 : i32
      %dma_start3A_68 = arith.constant 2048 : i32
      %dma_start3A_69 = tpu.memref_slice %arg9[%dma_start3A_68] : memref<43008xf32, #tpu.memory_space<vmem>> -> memref<2048xf32, #tpu.memory_space<vmem>>
      %dma_start3A_70 = tpu.memref_slice %arg6[%add3A_67] : memref<44040192xf32, #tpu.memory_space<hbm>> -> memref<2048xf32, #tpu.memory_space<hbm>>
      %dma_start3A_71 = tpu.memref_slice %arg6[%add3A_67] : memref<44040192xf32, #tpu.memory_space<hbm>> -> memref<2048xf32, #tpu.memory_space<hbm>>
      %dma_start3A_72 = arith.constant 2048 : i32
      %dma_start3A_73 = tpu.memref_slice %arg9[%dma_start3A_72] : memref<43008xf32, #tpu.memory_space<vmem>> -> memref<2048xf32, #tpu.memory_space<vmem>>
      tpu.enqueue_dma source(%dma_start3A_73 : memref<2048xf32, #tpu.memory_space<vmem>>) target(%dma_start3A_71 : memref<2048xf32, #tpu.memory_space<hbm>>) target_semaphore(%arg15 : memref<!tpu.dma_semaphore, #tpu.memory_space<semaphore_mem>>)
      %add3A_74 = arith.constant 524288 : i32
      %add3A_75 = arith.addi %add3A_57, %add3A_74 : i32
      %dma_start3A_76 = arith.constant 4096 : i32
      %dma_start3A_77 = tpu.memref_slice %arg9[%dma_start3A_76] : memref<43008xf32, #tpu.memory_space<vmem>> -> memref<2048xf32, #tpu.memory_space<vmem>>
      %dma_start3A_78 = tpu.memref_slice %arg6[%add3A_75] : memref<44040192xf32, #tpu.memory_space<hbm>> -> memref<2048xf32, #tpu.memory_space<hbm>>
      %dma_start3A_79 = tpu.memref_slice %arg6[%add3A_75] : memref<44040192xf32, #tpu.memory_space<hbm>> -> memref<2048xf32, #tpu.memory_space<hbm>>
      %dma_start3A_80 = arith.constant 4096 : i32
      %dma_start3A_81 = tpu.memref_slice %arg9[%dma_start3A_80] : memref<43008xf32, #tpu.memory_space<vmem>> -> memref<2048xf32, #tpu.memory_space<vmem>>
      tpu.enqueue_dma source(%dma_start3A_81 : memref<2048xf32, #tpu.memory_space<vmem>>) target(%dma_start3A_79 : memref<2048xf32, #tpu.memory_space<hbm>>) target_semaphore(%arg15 : memref<!tpu.dma_semaphore, #tpu.memory_space<semaphore_mem>>)
      %add3A_82 = arith.constant 786432 : i32
      %add3A_83 = arith.addi %add3A_57, %add3A_82 : i32
      %dma_start3A_84 = arith.constant 6144 : i32
      %dma_start3A_85 = tpu.memref_slice %arg9[%dma_start3A_84] : memref<43008xf32, #tpu.memory_space<vmem>> -> memref<2048xf32, #tpu.memory_space<vmem>>
      %dma_start3A_86 = tpu.memref_slice %arg6[%add3A_83] : memref<44040192xf32, #tpu.memory_space<hbm>> -> memref<2048xf32, #tpu.memory_space<hbm>>
      %dma_start3A_87 = tpu.memref_slice %arg6[%add3A_83] : memref<44040192xf32, #tpu.memory_space<hbm>> -> memref<2048xf32, #tpu.memory_space<hbm>>
      %dma_start3A_88 = arith.constant 6144 : i32
      %dma_start3A_89 = tpu.memref_slice %arg9[%dma_start3A_88] : memref<43008xf32, #tpu.memory_space<vmem>> -> memref<2048xf32, #tpu.memory_space<vmem>>
      tpu.enqueue_dma source(%dma_start3A_89 : memref<2048xf32, #tpu.memory_space<vmem>>) target(%dma_start3A_87 : memref<2048xf32, #tpu.memory_space<hbm>>) target_semaphore(%arg15 : memref<!tpu.dma_semaphore, #tpu.memory_space<semaphore_mem>>)
      %add3A_90 = arith.constant 1048576 : i32
      %add3A_91 = arith.addi %add3A_57, %add3A_90 : i32
      %dma_start3A_92 = arith.constant 8192 : i32
      %dma_start3A_93 = tpu.memref_slice %arg9[%dma_start3A_92] : memref<43008xf32, #tpu.memory_space<vmem>> -> memref<2048xf32, #tpu.memory_space<vmem>>
      %dma_start3A_94 = tpu.memref_slice %arg6[%add3A_91] : memref<44040192xf32, #tpu.memory_space<hbm>> -> memref<2048xf32, #tpu.memory_space<hbm>>
      %dma_start3A_95 = tpu.memref_slice %arg6[%add3A_91] : memref<44040192xf32, #tpu.memory_space<hbm>> -> memref<2048xf32, #tpu.memory_space<hbm>>
      %dma_start3A_96 = arith.constant 8192 : i32
      %dma_start3A_97 = tpu.memref_slice %arg9[%dma_start3A_96] : memref<43008xf32, #tpu.memory_space<vmem>> -> memref<2048xf32, #tpu.memory_space<vmem>>
      tpu.enqueue_dma source(%dma_start3A_97 : memref<2048xf32, #tpu.memory_space<vmem>>) target(%dma_start3A_95 : memref<2048xf32, #tpu.memory_space<hbm>>) target_semaphore(%arg15 : memref<!tpu.dma_semaphore, #tpu.memory_space<semaphore_mem>>)
      %add3A_98 = arith.constant 1310720 : i32
      %add3A_99 = arith.addi %add3A_57, %add3A_98 : i32
      %dma_start3A_100 = arith.constant 10240 : i32
      %dma_start3A_101 = tpu.memref_slice %arg9[%dma_start3A_100] : memref<43008xf32, #tpu.memory_space<vmem>> -> memref<2048xf32, #tpu.memory_space<vmem>>
      %dma_start3A_102 = tpu.memref_slice %arg6[%add3A_99] : memref<44040192xf32, #tpu.memory_space<hbm>> -> memref<2048xf32, #tpu.memory_space<hbm>>
      %dma_start3A_103 = tpu.memref_slice %arg6[%add3A_99] : memref<44040192xf32, #tpu.memory_space<hbm>> -> memref<2048xf32, #tpu.memory_space<hbm>>
      %dma_start3A_104 = arith.constant 10240 : i32
      %dma_start3A_105 = tpu.memref_slice %arg9[%dma_start3A_104] : memref<43008xf32, #tpu.memory_space<vmem>> -> memref<2048xf32, #tpu.memory_space<vmem>>
      tpu.enqueue_dma source(%dma_start3A_105 : memref<2048xf32, #tpu.memory_space<vmem>>) target(%dma_start3A_103 : memref<2048xf32, #tpu.memory_space<hbm>>) target_semaphore(%arg15 : memref<!tpu.dma_semaphore, #tpu.memory_space<semaphore_mem>>)
      %add3A_106 = arith.constant 1572864 : i32
      %add3A_107 = arith.addi %add3A_57, %add3A_106 : i32
      %dma_start3A_108 = arith.constant 12288 : i32
      %dma_start3A_109 = tpu.memref_slice %arg9[%dma_start3A_108] : memref<43008xf32, #tpu.memory_space<vmem>> -> memref<2048xf32, #tpu.memory_space<vmem>>
      %dma_start3A_110 = tpu.memref_slice %arg6[%add3A_107] : memref<44040192xf32, #tpu.memory_space<hbm>> -> memref<2048xf32, #tpu.memory_space<hbm>>
      %dma_start3A_111 = tpu.memref_slice %arg6[%add3A_107] : memref<44040192xf32, #tpu.memory_space<hbm>> -> memref<2048xf32, #tpu.memory_space<hbm>>
      %dma_start3A_112 = arith.constant 12288 : i32
      %dma_start3A_113 = tpu.memref_slice %arg9[%dma_start3A_112] : memref<43008xf32, #tpu.memory_space<vmem>> -> memref<2048xf32, #tpu.memory_space<vmem>>
      tpu.enqueue_dma source(%dma_start3A_113 : memref<2048xf32, #tpu.memory_space<vmem>>) target(%dma_start3A_111 : memref<2048xf32, #tpu.memory_space<hbm>>) target_semaphore(%arg15 : memref<!tpu.dma_semaphore, #tpu.memory_space<semaphore_mem>>)
      %add3A_114 = arith.constant 1835008 : i32
      %add3A_115 = arith.addi %add3A_57, %add3A_114 : i32
      %dma_start3A_116 = arith.constant 14336 : i32
      %dma_start3A_117 = tpu.memref_slice %arg9[%dma_start3A_116] : memref<43008xf32, #tpu.memory_space<vmem>> -> memref<2048xf32, #tpu.memory_space<vmem>>
      %dma_start3A_118 = tpu.memref_slice %arg6[%add3A_115] : memref<44040192xf32, #tpu.memory_space<hbm>> -> memref<2048xf32, #tpu.memory_space<hbm>>
      %dma_start3A_119 = tpu.memref_slice %arg6[%add3A_115] : memref<44040192xf32, #tpu.memory_space<hbm>> -> memref<2048xf32, #tpu.memory_space<hbm>>
      %dma_start3A_120 = arith.constant 14336 : i32
      %dma_start3A_121 = tpu.memref_slice %arg9[%dma_start3A_120] : memref<43008xf32, #tpu.memory_space<vmem>> -> memref<2048xf32, #tpu.memory_space<vmem>>
      tpu.enqueue_dma source(%dma_start3A_121 : memref<2048xf32, #tpu.memory_space<vmem>>) target(%dma_start3A_119 : memref<2048xf32, #tpu.memory_space<hbm>>) target_semaphore(%arg15 : memref<!tpu.dma_semaphore, #tpu.memory_space<semaphore_mem>>)
      %add3A_122 = arith.constant 2097152 : i32
      %add3A_123 = arith.addi %add3A_57, %add3A_122 : i32
      %dma_start3A_124 = arith.constant 16384 : i32
      %dma_start3A_125 = tpu.memref_slice %arg9[%dma_start3A_124] : memref<43008xf32, #tpu.memory_space<vmem>> -> memref<2048xf32, #tpu.memory_space<vmem>>
      %dma_start3A_126 = tpu.memref_slice %arg6[%add3A_123] : memref<44040192xf32, #tpu.memory_space<hbm>> -> memref<2048xf32, #tpu.memory_space<hbm>>
      %dma_start3A_127 = tpu.memref_slice %arg6[%add3A_123] : memref<44040192xf32, #tpu.memory_space<hbm>> -> memref<2048xf32, #tpu.memory_space<hbm>>
      %dma_start3A_128 = arith.constant 16384 : i32
      %dma_start3A_129 = tpu.memref_slice %arg9[%dma_start3A_128] : memref<43008xf32, #tpu.memory_space<vmem>> -> memref<2048xf32, #tpu.memory_space<vmem>>
      tpu.enqueue_dma source(%dma_start3A_129 : memref<2048xf32, #tpu.memory_space<vmem>>) target(%dma_start3A_127 : memref<2048xf32, #tpu.memory_space<hbm>>) target_semaphore(%arg15 : memref<!tpu.dma_semaphore, #tpu.memory_space<semaphore_mem>>)
      %add3A_130 = arith.constant 2359296 : i32
      %add3A_131 = arith.addi %add3A_57, %add3A_130 : i32
      %dma_start3A_132 = arith.constant 18432 : i32
      %dma_start3A_133 = tpu.memref_slice %arg9[%dma_start3A_132] : memref<43008xf32, #tpu.memory_space<vmem>> -> memref<2048xf32, #tpu.memory_space<vmem>>
      %dma_start3A_134 = tpu.memref_slice %arg6[%add3A_131] : memref<44040192xf32, #tpu.memory_space<hbm>> -> memref<2048xf32, #tpu.memory_space<hbm>>
      %dma_start3A_135 = tpu.memref_slice %arg6[%add3A_131] : memref<44040192xf32, #tpu.memory_space<hbm>> -> memref<2048xf32, #tpu.memory_space<hbm>>
      %dma_start3A_136 = arith.constant 18432 : i32
      %dma_start3A_137 = tpu.memref_slice %arg9[%dma_start3A_136] : memref<43008xf32, #tpu.memory_space<vmem>> -> memref<2048xf32, #tpu.memory_space<vmem>>
      tpu.enqueue_dma source(%dma_start3A_137 : memref<2048xf32, #tpu.memory_space<vmem>>) target(%dma_start3A_135 : memref<2048xf32, #tpu.memory_space<hbm>>) target_semaphore(%arg15 : memref<!tpu.dma_semaphore, #tpu.memory_space<semaphore_mem>>)
      %add3A_138 = arith.constant 2621440 : i32
      %add3A_139 = arith.addi %add3A_57, %add3A_138 : i32
      %dma_start3A_140 = arith.constant 20480 : i32
      %dma_start3A_141 = tpu.memref_slice %arg9[%dma_start3A_140] : memref<43008xf32, #tpu.memory_space<vmem>> -> memref<2048xf32, #tpu.memory_space<vmem>>
      %dma_start3A_142 = tpu.memref_slice %arg6[%add3A_139] : memref<44040192xf32, #tpu.memory_space<hbm>> -> memref<2048xf32, #tpu.memory_space<hbm>>
      %dma_start3A_143 = tpu.memref_slice %arg6[%add3A_139] : memref<44040192xf32, #tpu.memory_space<hbm>> -> memref<2048xf32, #tpu.memory_space<hbm>>
      %dma_start3A_144 = arith.constant 20480 : i32
      %dma_start3A_145 = tpu.memref_slice %arg9[%dma_start3A_144] : memref<43008xf32, #tpu.memory_space<vmem>> -> memref<2048xf32, #tpu.memory_space<vmem>>
      tpu.enqueue_dma source(%dma_start3A_145 : memref<2048xf32, #tpu.memory_space<vmem>>) target(%dma_start3A_143 : memref<2048xf32, #tpu.memory_space<hbm>>) target_semaphore(%arg15 : memref<!tpu.dma_semaphore, #tpu.memory_space<semaphore_mem>>)
      %add3A_146 = arith.constant 2883584 : i32
      %add3A_147 = arith.addi %add3A_57, %add3A_146 : i32
      %dma_start3A_148 = arith.constant 22528 : i32
      %dma_start3A_149 = tpu.memref_slice %arg9[%dma_start3A_148] : memref<43008xf32, #tpu.memory_space<vmem>> -> memref<2048xf32, #tpu.memory_space<vmem>>
      %dma_start3A_150 = tpu.memref_slice %arg6[%add3A_147] : memref<44040192xf32, #tpu.memory_space<hbm>> -> memref<2048xf32, #tpu.memory_space<hbm>>
      %dma_start3A_151 = tpu.memref_slice %arg6[%add3A_147] : memref<44040192xf32, #tpu.memory_space<hbm>> -> memref<2048xf32, #tpu.memory_space<hbm>>
      %dma_start3A_152 = arith.constant 22528 : i32
      %dma_start3A_153 = tpu.memref_slice %arg9[%dma_start3A_152] : memref<43008xf32, #tpu.memory_space<vmem>> -> memref<2048xf32, #tpu.memory_space<vmem>>
      tpu.enqueue_dma source(%dma_start3A_153 : memref<2048xf32, #tpu.memory_space<vmem>>) target(%dma_start3A_151 : memref<2048xf32, #tpu.memory_space<hbm>>) target_semaphore(%arg15 : memref<!tpu.dma_semaphore, #tpu.memory_space<semaphore_mem>>)
      %add3A_154 = arith.constant 3145728 : i32
      %add3A_155 = arith.addi %add3A_57, %add3A_154 : i32
      %dma_start3A_156 = arith.constant 24576 : i32
      %dma_start3A_157 = tpu.memref_slice %arg9[%dma_start3A_156] : memref<43008xf32, #tpu.memory_space<vmem>> -> memref<2048xf32, #tpu.memory_space<vmem>>
      %dma_start3A_158 = tpu.memref_slice %arg6[%add3A_155] : memref<44040192xf32, #tpu.memory_space<hbm>> -> memref<2048xf32, #tpu.memory_space<hbm>>
      %dma_start3A_159 = tpu.memref_slice %arg6[%add3A_155] : memref<44040192xf32, #tpu.memory_space<hbm>> -> memref<2048xf32, #tpu.memory_space<hbm>>
      %dma_start3A_160 = arith.constant 24576 : i32
      %dma_start3A_161 = tpu.memref_slice %arg9[%dma_start3A_160] : memref<43008xf32, #tpu.memory_space<vmem>> -> memref<2048xf32, #tpu.memory_space<vmem>>
      tpu.enqueue_dma source(%dma_start3A_161 : memref<2048xf32, #tpu.memory_space<vmem>>) target(%dma_start3A_159 : memref<2048xf32, #tpu.memory_space<hbm>>) target_semaphore(%arg15 : memref<!tpu.dma_semaphore, #tpu.memory_space<semaphore_mem>>)
      %add3A_162 = arith.constant 3407872 : i32
      %add3A_163 = arith.addi %add3A_57, %add3A_162 : i32
      %dma_start3A_164 = arith.constant 26624 : i32
      %dma_start3A_165 = tpu.memref_slice %arg9[%dma_start3A_164] : memref<43008xf32, #tpu.memory_space<vmem>> -> memref<2048xf32, #tpu.memory_space<vmem>>
      %dma_start3A_166 = tpu.memref_slice %arg6[%add3A_163] : memref<44040192xf32, #tpu.memory_space<hbm>> -> memref<2048xf32, #tpu.memory_space<hbm>>
      %dma_start3A_167 = tpu.memref_slice %arg6[%add3A_163] : memref<44040192xf32, #tpu.memory_space<hbm>> -> memref<2048xf32, #tpu.memory_space<hbm>>
      %dma_start3A_168 = arith.constant 26624 : i32
      %dma_start3A_169 = tpu.memref_slice %arg9[%dma_start3A_168] : memref<43008xf32, #tpu.memory_space<vmem>> -> memref<2048xf32, #tpu.memory_space<vmem>>
      tpu.enqueue_dma source(%dma_start3A_169 : memref<2048xf32, #tpu.memory_space<vmem>>) target(%dma_start3A_167 : memref<2048xf32, #tpu.memory_space<hbm>>) target_semaphore(%arg15 : memref<!tpu.dma_semaphore, #tpu.memory_space<semaphore_mem>>)
      %add3A_170 = arith.constant 3670016 : i32
      %add3A_171 = arith.addi %add3A_57, %add3A_170 : i32
      %dma_start3A_172 = arith.constant 28672 : i32
      %dma_start3A_173 = tpu.memref_slice %arg9[%dma_start3A_172] : memref<43008xf32, #tpu.memory_space<vmem>> -> memref<2048xf32, #tpu.memory_space<vmem>>
      %dma_start3A_174 = tpu.memref_slice %arg6[%add3A_171] : memref<44040192xf32, #tpu.memory_space<hbm>> -> memref<2048xf32, #tpu.memory_space<hbm>>
      %dma_start3A_175 = tpu.memref_slice %arg6[%add3A_171] : memref<44040192xf32, #tpu.memory_space<hbm>> -> memref<2048xf32, #tpu.memory_space<hbm>>
      %dma_start3A_176 = arith.constant 28672 : i32
      %dma_start3A_177 = tpu.memref_slice %arg9[%dma_start3A_176] : memref<43008xf32, #tpu.memory_space<vmem>> -> memref<2048xf32, #tpu.memory_space<vmem>>
      tpu.enqueue_dma source(%dma_start3A_177 : memref<2048xf32, #tpu.memory_space<vmem>>) target(%dma_start3A_175 : memref<2048xf32, #tpu.memory_space<hbm>>) target_semaphore(%arg15 : memref<!tpu.dma_semaphore, #tpu.memory_space<semaphore_mem>>)
      %add3A_178 = arith.constant 3932160 : i32
      %add3A_179 = arith.addi %add3A_57, %add3A_178 : i32
      %dma_start3A_180 = arith.constant 30720 : i32
      %dma_start3A_181 = tpu.memref_slice %arg9[%dma_start3A_180] : memref<43008xf32, #tpu.memory_space<vmem>> -> memref<2048xf32, #tpu.memory_space<vmem>>
      %dma_start3A_182 = tpu.memref_slice %arg6[%add3A_179] : memref<44040192xf32, #tpu.memory_space<hbm>> -> memref<2048xf32, #tpu.memory_space<hbm>>
      %dma_start3A_183 = tpu.memref_slice %arg6[%add3A_179] : memref<44040192xf32, #tpu.memory_space<hbm>> -> memref<2048xf32, #tpu.memory_space<hbm>>
      %dma_start3A_184 = arith.constant 30720 : i32
      %dma_start3A_185 = tpu.memref_slice %arg9[%dma_start3A_184] : memref<43008xf32, #tpu.memory_space<vmem>> -> memref<2048xf32, #tpu.memory_space<vmem>>
      tpu.enqueue_dma source(%dma_start3A_185 : memref<2048xf32, #tpu.memory_space<vmem>>) target(%dma_start3A_183 : memref<2048xf32, #tpu.memory_space<hbm>>) target_semaphore(%arg15 : memref<!tpu.dma_semaphore, #tpu.memory_space<semaphore_mem>>)
      %add3A_186 = arith.constant 4194304 : i32
      %add3A_187 = arith.addi %add3A_57, %add3A_186 : i32
      %dma_start3A_188 = arith.constant 32768 : i32
      %dma_start3A_189 = tpu.memref_slice %arg9[%dma_start3A_188] : memref<43008xf32, #tpu.memory_space<vmem>> -> memref<2048xf32, #tpu.memory_space<vmem>>
      %dma_start3A_190 = tpu.memref_slice %arg6[%add3A_187] : memref<44040192xf32, #tpu.memory_space<hbm>> -> memref<2048xf32, #tpu.memory_space<hbm>>
      %dma_start3A_191 = tpu.memref_slice %arg6[%add3A_187] : memref<44040192xf32, #tpu.memory_space<hbm>> -> memref<2048xf32, #tpu.memory_space<hbm>>
      %dma_start3A_192 = arith.constant 32768 : i32
      %dma_start3A_193 = tpu.memref_slice %arg9[%dma_start3A_192] : memref<43008xf32, #tpu.memory_space<vmem>> -> memref<2048xf32, #tpu.memory_space<vmem>>
      tpu.enqueue_dma source(%dma_start3A_193 : memref<2048xf32, #tpu.memory_space<vmem>>) target(%dma_start3A_191 : memref<2048xf32, #tpu.memory_space<hbm>>) target_semaphore(%arg15 : memref<!tpu.dma_semaphore, #tpu.memory_space<semaphore_mem>>)
      %add3A_194 = arith.constant 4456448 : i32
      %add3A_195 = arith.addi %add3A_57, %add3A_194 : i32
      %dma_start3A_196 = arith.constant 34816 : i32
      %dma_start3A_197 = tpu.memref_slice %arg9[%dma_start3A_196] : memref<43008xf32, #tpu.memory_space<vmem>> -> memref<2048xf32, #tpu.memory_space<vmem>>
      %dma_start3A_198 = tpu.memref_slice %arg6[%add3A_195] : memref<44040192xf32, #tpu.memory_space<hbm>> -> memref<2048xf32, #tpu.memory_space<hbm>>
      %dma_start3A_199 = tpu.memref_slice %arg6[%add3A_195] : memref<44040192xf32, #tpu.memory_space<hbm>> -> memref<2048xf32, #tpu.memory_space<hbm>>
      %dma_start3A_200 = arith.constant 34816 : i32
      %dma_start3A_201 = tpu.memref_slice %arg9[%dma_start3A_200] : memref<43008xf32, #tpu.memory_space<vmem>> -> memref<2048xf32, #tpu.memory_space<vmem>>
      tpu.enqueue_dma source(%dma_start3A_201 : memref<2048xf32, #tpu.memory_space<vmem>>) target(%dma_start3A_199 : memref<2048xf32, #tpu.memory_space<hbm>>) target_semaphore(%arg15 : memref<!tpu.dma_semaphore, #tpu.memory_space<semaphore_mem>>)
      %add3A_202 = arith.constant 4718592 : i32
      %add3A_203 = arith.addi %add3A_57, %add3A_202 : i32
      %dma_start3A_204 = arith.constant 36864 : i32
      %dma_start3A_205 = tpu.memref_slice %arg9[%dma_start3A_204] : memref<43008xf32, #tpu.memory_space<vmem>> -> memref<2048xf32, #tpu.memory_space<vmem>>
      %dma_start3A_206 = tpu.memref_slice %arg6[%add3A_203] : memref<44040192xf32, #tpu.memory_space<hbm>> -> memref<2048xf32, #tpu.memory_space<hbm>>
      %dma_start3A_207 = tpu.memref_slice %arg6[%add3A_203] : memref<44040192xf32, #tpu.memory_space<hbm>> -> memref<2048xf32, #tpu.memory_space<hbm>>
      %dma_start3A_208 = arith.constant 36864 : i32
      %dma_start3A_209 = tpu.memref_slice %arg9[%dma_start3A_208] : memref<43008xf32, #tpu.memory_space<vmem>> -> memref<2048xf32, #tpu.memory_space<vmem>>
      tpu.enqueue_dma source(%dma_start3A_209 : memref<2048xf32, #tpu.memory_space<vmem>>) target(%dma_start3A_207 : memref<2048xf32, #tpu.memory_space<hbm>>) target_semaphore(%arg15 : memref<!tpu.dma_semaphore, #tpu.memory_space<semaphore_mem>>)
      %add3A_210 = arith.constant 4980736 : i32
      %add3A_211 = arith.addi %add3A_57, %add3A_210 : i32
      %dma_start3A_212 = arith.constant 38912 : i32
      %dma_start3A_213 = tpu.memref_slice %arg9[%dma_start3A_212] : memref<43008xf32, #tpu.memory_space<vmem>> -> memref<2048xf32, #tpu.memory_space<vmem>>
      %dma_start3A_214 = tpu.memref_slice %arg6[%add3A_211] : memref<44040192xf32, #tpu.memory_space<hbm>> -> memref<2048xf32, #tpu.memory_space<hbm>>
      %dma_start3A_215 = tpu.memref_slice %arg6[%add3A_211] : memref<44040192xf32, #tpu.memory_space<hbm>> -> memref<2048xf32, #tpu.memory_space<hbm>>
      %dma_start3A_216 = arith.constant 38912 : i32
      %dma_start3A_217 = tpu.memref_slice %arg9[%dma_start3A_216] : memref<43008xf32, #tpu.memory_space<vmem>> -> memref<2048xf32, #tpu.memory_space<vmem>>
      tpu.enqueue_dma source(%dma_start3A_217 : memref<2048xf32, #tpu.memory_space<vmem>>) target(%dma_start3A_215 : memref<2048xf32, #tpu.memory_space<hbm>>) target_semaphore(%arg15 : memref<!tpu.dma_semaphore, #tpu.memory_space<semaphore_mem>>)
      %add3A_218 = arith.constant 5242880 : i32
      %add3A_219 = arith.addi %add3A_57, %add3A_218 : i32
      %dma_start3A_220 = arith.constant 40960 : i32
      %dma_start3A_221 = tpu.memref_slice %arg9[%dma_start3A_220] : memref<43008xf32, #tpu.memory_space<vmem>> -> memref<2048xf32, #tpu.memory_space<vmem>>
      %dma_start3A_222 = tpu.memref_slice %arg6[%add3A_219] : memref<44040192xf32, #tpu.memory_space<hbm>> -> memref<2048xf32, #tpu.memory_space<hbm>>
      %dma_start3A_223 = tpu.memref_slice %arg6[%add3A_219] : memref<44040192xf32, #tpu.memory_space<hbm>> -> memref<2048xf32, #tpu.memory_space<hbm>>
      %dma_start3A_224 = arith.constant 40960 : i32
      %dma_start3A_225 = tpu.memref_slice %arg9[%dma_start3A_224] : memref<43008xf32, #tpu.memory_space<vmem>> -> memref<2048xf32, #tpu.memory_space<vmem>>
      tpu.enqueue_dma source(%dma_start3A_225 : memref<2048xf32, #tpu.memory_space<vmem>>) target(%dma_start3A_223 : memref<2048xf32, #tpu.memory_space<hbm>>) target_semaphore(%arg15 : memref<!tpu.dma_semaphore, #tpu.memory_space<semaphore_mem>>)
      %dma_wait3A_226 = arith.constant 0 : i32
      %dma_wait3A_227 = tpu.memref_slice %arg9[%dma_wait3A_226] : memref<43008xf32, #tpu.memory_space<vmem>> -> memref<2048xf32, #tpu.memory_space<vmem>>
      %dma_wait3A_228 = tpu.memref_slice %arg6[%add3A_59] : memref<44040192xf32, #tpu.memory_space<hbm>> -> memref<2048xf32, #tpu.memory_space<hbm>>
      %dma_wait3A_229 = tpu.memref_slice %arg6[%add3A_59] : memref<44040192xf32, #tpu.memory_space<hbm>> -> memref<2048xf32, #tpu.memory_space<hbm>>
      %dma_wait3A_230 = arith.constant 0 : i32
      %dma_wait3A_231 = tpu.memref_slice %arg9[%dma_wait3A_230] : memref<43008xf32, #tpu.memory_space<vmem>> -> memref<2048xf32, #tpu.memory_space<vmem>>
      tpu.wait_dma2 semaphore(%arg15 : memref<!tpu.dma_semaphore, #tpu.memory_space<semaphore_mem>>) src(%dma_wait3A_231 : memref<2048xf32, #tpu.memory_space<vmem>>) dst(%dma_wait3A_229 : memref<2048xf32, #tpu.memory_space<hbm>>)
      %dma_wait3A_232 = arith.constant 2048 : i32
      %dma_wait3A_233 = tpu.memref_slice %arg9[%dma_wait3A_232] : memref<43008xf32, #tpu.memory_space<vmem>> -> memref<2048xf32, #tpu.memory_space<vmem>>
      %dma_wait3A_234 = tpu.memref_slice %arg6[%add3A_67] : memref<44040192xf32, #tpu.memory_space<hbm>> -> memref<2048xf32, #tpu.memory_space<hbm>>
      %dma_wait3A_235 = tpu.memref_slice %arg6[%add3A_67] : memref<44040192xf32, #tpu.memory_space<hbm>> -> memref<2048xf32, #tpu.memory_space<hbm>>
      %dma_wait3A_236 = arith.constant 2048 : i32
      %dma_wait3A_237 = tpu.memref_slice %arg9[%dma_wait3A_236] : memref<43008xf32, #tpu.memory_space<vmem>> -> memref<2048xf32, #tpu.memory_space<vmem>>
      tpu.wait_dma2 semaphore(%arg15 : memref<!tpu.dma_semaphore, #tpu.memory_space<semaphore_mem>>) src(%dma_wait3A_237 : memref<2048xf32, #tpu.memory_space<vmem>>) dst(%dma_wait3A_235 : memref<2048xf32, #tpu.memory_space<hbm>>)
      %dma_wait3A_238 = arith.constant 4096 : i32
      %dma_wait3A_239 = tpu.memref_slice %arg9[%dma_wait3A_238] : memref<43008xf32, #tpu.memory_space<vmem>> -> memref<2048xf32, #tpu.memory_space<vmem>>
      %dma_wait3A_240 = tpu.memref_slice %arg6[%add3A_75] : memref<44040192xf32, #tpu.memory_space<hbm>> -> memref<2048xf32, #tpu.memory_space<hbm>>
      %dma_wait3A_241 = tpu.memref_slice %arg6[%add3A_75] : memref<44040192xf32, #tpu.memory_space<hbm>> -> memref<2048xf32, #tpu.memory_space<hbm>>
      %dma_wait3A_242 = arith.constant 4096 : i32
      %dma_wait3A_243 = tpu.memref_slice %arg9[%dma_wait3A_242] : memref<43008xf32, #tpu.memory_space<vmem>> -> memref<2048xf32, #tpu.memory_space<vmem>>
      tpu.wait_dma2 semaphore(%arg15 : memref<!tpu.dma_semaphore, #tpu.memory_space<semaphore_mem>>) src(%dma_wait3A_243 : memref<2048xf32, #tpu.memory_space<vmem>>) dst(%dma_wait3A_241 : memref<2048xf32, #tpu.memory_space<hbm>>)
      %dma_wait3A_244 = arith.constant 6144 : i32
      %dma_wait3A_245 = tpu.memref_slice %arg9[%dma_wait3A_244] : memref<43008xf32, #tpu.memory_space<vmem>> -> memref<2048xf32, #tpu.memory_space<vmem>>
      %dma_wait3A_246 = tpu.memref_slice %arg6[%add3A_83] : memref<44040192xf32, #tpu.memory_space<hbm>> -> memref<2048xf32, #tpu.memory_space<hbm>>
      %dma_wait3A_247 = tpu.memref_slice %arg6[%add3A_83] : memref<44040192xf32, #tpu.memory_space<hbm>> -> memref<2048xf32, #tpu.memory_space<hbm>>
      %dma_wait3A_248 = arith.constant 6144 : i32
      %dma_wait3A_249 = tpu.memref_slice %arg9[%dma_wait3A_248] : memref<43008xf32, #tpu.memory_space<vmem>> -> memref<2048xf32, #tpu.memory_space<vmem>>
      tpu.wait_dma2 semaphore(%arg15 : memref<!tpu.dma_semaphore, #tpu.memory_space<semaphore_mem>>) src(%dma_wait3A_249 : memref<2048xf32, #tpu.memory_space<vmem>>) dst(%dma_wait3A_247 : memref<2048xf32, #tpu.memory_space<hbm>>)
      %dma_wait3A_250 = arith.constant 8192 : i32
      %dma_wait3A_251 = tpu.memref_slice %arg9[%dma_wait3A_250] : memref<43008xf32, #tpu.memory_space<vmem>> -> memref<2048xf32, #tpu.memory_space<vmem>>
      %dma_wait3A_252 = tpu.memref_slice %arg6[%add3A_91] : memref<44040192xf32, #tpu.memory_space<hbm>> -> memref<2048xf32, #tpu.memory_space<hbm>>
      %dma_wait3A_253 = tpu.memref_slice %arg6[%add3A_91] : memref<44040192xf32, #tpu.memory_space<hbm>> -> memref<2048xf32, #tpu.memory_space<hbm>>
      %dma_wait3A_254 = arith.constant 8192 : i32
      %dma_wait3A_255 = tpu.memref_slice %arg9[%dma_wait3A_254] : memref<43008xf32, #tpu.memory_space<vmem>> -> memref<2048xf32, #tpu.memory_space<vmem>>
      tpu.wait_dma2 semaphore(%arg15 : memref<!tpu.dma_semaphore, #tpu.memory_space<semaphore_mem>>) src(%dma_wait3A_255 : memref<2048xf32, #tpu.memory_space<vmem>>) dst(%dma_wait3A_253 : memref<2048xf32, #tpu.memory_space<hbm>>)
      %dma_wait3A_256 = arith.constant 10240 : i32
      %dma_wait3A_257 = tpu.memref_slice %arg9[%dma_wait3A_256] : memref<43008xf32, #tpu.memory_space<vmem>> -> memref<2048xf32, #tpu.memory_space<vmem>>
      %dma_wait3A_258 = tpu.memref_slice %arg6[%add3A_99] : memref<44040192xf32, #tpu.memory_space<hbm>> -> memref<2048xf32, #tpu.memory_space<hbm>>
      %dma_wait3A_259 = tpu.memref_slice %arg6[%add3A_99] : memref<44040192xf32, #tpu.memory_space<hbm>> -> memref<2048xf32, #tpu.memory_space<hbm>>
      %dma_wait3A_260 = arith.constant 10240 : i32
      %dma_wait3A_261 = tpu.memref_slice %arg9[%dma_wait3A_260] : memref<43008xf32, #tpu.memory_space<vmem>> -> memref<2048xf32, #tpu.memory_space<vmem>>
      tpu.wait_dma2 semaphore(%arg15 : memref<!tpu.dma_semaphore, #tpu.memory_space<semaphore_mem>>) src(%dma_wait3A_261 : memref<2048xf32, #tpu.memory_space<vmem>>) dst(%dma_wait3A_259 : memref<2048xf32, #tpu.memory_space<hbm>>)
      %dma_wait3A_262 = arith.constant 12288 : i32
      %dma_wait3A_263 = tpu.memref_slice %arg9[%dma_wait3A_262] : memref<43008xf32, #tpu.memory_space<vmem>> -> memref<2048xf32, #tpu.memory_space<vmem>>
      %dma_wait3A_264 = tpu.memref_slice %arg6[%add3A_107] : memref<44040192xf32, #tpu.memory_space<hbm>> -> memref<2048xf32, #tpu.memory_space<hbm>>
      %dma_wait3A_265 = tpu.memref_slice %arg6[%add3A_107] : memref<44040192xf32, #tpu.memory_space<hbm>> -> memref<2048xf32, #tpu.memory_space<hbm>>
      %dma_wait3A_266 = arith.constant 12288 : i32
      %dma_wait3A_267 = tpu.memref_slice %arg9[%dma_wait3A_266] : memref<43008xf32, #tpu.memory_space<vmem>> -> memref<2048xf32, #tpu.memory_space<vmem>>
      tpu.wait_dma2 semaphore(%arg15 : memref<!tpu.dma_semaphore, #tpu.memory_space<semaphore_mem>>) src(%dma_wait3A_267 : memref<2048xf32, #tpu.memory_space<vmem>>) dst(%dma_wait3A_265 : memref<2048xf32, #tpu.memory_space<hbm>>)
      %dma_wait3A_268 = arith.constant 14336 : i32
      %dma_wait3A_269 = tpu.memref_slice %arg9[%dma_wait3A_268] : memref<43008xf32, #tpu.memory_space<vmem>> -> memref<2048xf32, #tpu.memory_space<vmem>>
      %dma_wait3A_270 = tpu.memref_slice %arg6[%add3A_115] : memref<44040192xf32, #tpu.memory_space<hbm>> -> memref<2048xf32, #tpu.memory_space<hbm>>
      %dma_wait3A_271 = tpu.memref_slice %arg6[%add3A_115] : memref<44040192xf32, #tpu.memory_space<hbm>> -> memref<2048xf32, #tpu.memory_space<hbm>>
      %dma_wait3A_272 = arith.constant 14336 : i32
      %dma_wait3A_273 = tpu.memref_slice %arg9[%dma_wait3A_272] : memref<43008xf32, #tpu.memory_space<vmem>> -> memref<2048xf32, #tpu.memory_space<vmem>>
      tpu.wait_dma2 semaphore(%arg15 : memref<!tpu.dma_semaphore, #tpu.memory_space<semaphore_mem>>) src(%dma_wait3A_273 : memref<2048xf32, #tpu.memory_space<vmem>>) dst(%dma_wait3A_271 : memref<2048xf32, #tpu.memory_space<hbm>>)
      %dma_wait3A_274 = arith.constant 16384 : i32
      %dma_wait3A_275 = tpu.memref_slice %arg9[%dma_wait3A_274] : memref<43008xf32, #tpu.memory_space<vmem>> -> memref<2048xf32, #tpu.memory_space<vmem>>
      %dma_wait3A_276 = tpu.memref_slice %arg6[%add3A_123] : memref<44040192xf32, #tpu.memory_space<hbm>> -> memref<2048xf32, #tpu.memory_space<hbm>>
      %dma_wait3A_277 = tpu.memref_slice %arg6[%add3A_123] : memref<44040192xf32, #tpu.memory_space<hbm>> -> memref<2048xf32, #tpu.memory_space<hbm>>
      %dma_wait3A_278 = arith.constant 16384 : i32
      %dma_wait3A_279 = tpu.memref_slice %arg9[%dma_wait3A_278] : memref<43008xf32, #tpu.memory_space<vmem>> -> memref<2048xf32, #tpu.memory_space<vmem>>
      tpu.wait_dma2 semaphore(%arg15 : memref<!tpu.dma_semaphore, #tpu.memory_space<semaphore_mem>>) src(%dma_wait3A_279 : memref<2048xf32, #tpu.memory_space<vmem>>) dst(%dma_wait3A_277 : memref<2048xf32, #tpu.memory_space<hbm>>)
      %dma_wait3A_280 = arith.constant 18432 : i32
      %dma_wait3A_281 = tpu.memref_slice %arg9[%dma_wait3A_280] : memref<43008xf32, #tpu.memory_space<vmem>> -> memref<2048xf32, #tpu.memory_space<vmem>>
      %dma_wait3A_282 = tpu.memref_slice %arg6[%add3A_131] : memref<44040192xf32, #tpu.memory_space<hbm>> -> memref<2048xf32, #tpu.memory_space<hbm>>
      %dma_wait3A_283 = tpu.memref_slice %arg6[%add3A_131] : memref<44040192xf32, #tpu.memory_space<hbm>> -> memref<2048xf32, #tpu.memory_space<hbm>>
      %dma_wait3A_284 = arith.constant 18432 : i32
      %dma_wait3A_285 = tpu.memref_slice %arg9[%dma_wait3A_284] : memref<43008xf32, #tpu.memory_space<vmem>> -> memref<2048xf32, #tpu.memory_space<vmem>>
      tpu.wait_dma2 semaphore(%arg15 : memref<!tpu.dma_semaphore, #tpu.memory_space<semaphore_mem>>) src(%dma_wait3A_285 : memref<2048xf32, #tpu.memory_space<vmem>>) dst(%dma_wait3A_283 : memref<2048xf32, #tpu.memory_space<hbm>>)
      %dma_wait3A_286 = arith.constant 20480 : i32
      %dma_wait3A_287 = tpu.memref_slice %arg9[%dma_wait3A_286] : memref<43008xf32, #tpu.memory_space<vmem>> -> memref<2048xf32, #tpu.memory_space<vmem>>
      %dma_wait3A_288 = tpu.memref_slice %arg6[%add3A_139] : memref<44040192xf32, #tpu.memory_space<hbm>> -> memref<2048xf32, #tpu.memory_space<hbm>>
      %dma_wait3A_289 = tpu.memref_slice %arg6[%add3A_139] : memref<44040192xf32, #tpu.memory_space<hbm>> -> memref<2048xf32, #tpu.memory_space<hbm>>
      %dma_wait3A_290 = arith.constant 20480 : i32
      %dma_wait3A_291 = tpu.memref_slice %arg9[%dma_wait3A_290] : memref<43008xf32, #tpu.memory_space<vmem>> -> memref<2048xf32, #tpu.memory_space<vmem>>
      tpu.wait_dma2 semaphore(%arg15 : memref<!tpu.dma_semaphore, #tpu.memory_space<semaphore_mem>>) src(%dma_wait3A_291 : memref<2048xf32, #tpu.memory_space<vmem>>) dst(%dma_wait3A_289 : memref<2048xf32, #tpu.memory_space<hbm>>)
      %dma_wait3A_292 = arith.constant 22528 : i32
      %dma_wait3A_293 = tpu.memref_slice %arg9[%dma_wait3A_292] : memref<43008xf32, #tpu.memory_space<vmem>> -> memref<2048xf32, #tpu.memory_space<vmem>>
      %dma_wait3A_294 = tpu.memref_slice %arg6[%add3A_147] : memref<44040192xf32, #tpu.memory_space<hbm>> -> memref<2048xf32, #tpu.memory_space<hbm>>
      %dma_wait3A_295 = tpu.memref_slice %arg6[%add3A_147] : memref<44040192xf32, #tpu.memory_space<hbm>> -> memref<2048xf32, #tpu.memory_space<hbm>>
      %dma_wait3A_296 = arith.constant 22528 : i32
      %dma_wait3A_297 = tpu.memref_slice %arg9[%dma_wait3A_296] : memref<43008xf32, #tpu.memory_space<vmem>> -> memref<2048xf32, #tpu.memory_space<vmem>>
      tpu.wait_dma2 semaphore(%arg15 : memref<!tpu.dma_semaphore, #tpu.memory_space<semaphore_mem>>) src(%dma_wait3A_297 : memref<2048xf32, #tpu.memory_space<vmem>>) dst(%dma_wait3A_295 : memref<2048xf32, #tpu.memory_space<hbm>>)
      %dma_wait3A_298 = arith.constant 24576 : i32
      %dma_wait3A_299 = tpu.memref_slice %arg9[%dma_wait3A_298] : memref<43008xf32, #tpu.memory_space<vmem>> -> memref<2048xf32, #tpu.memory_space<vmem>>
      %dma_wait3A_300 = tpu.memref_slice %arg6[%add3A_155] : memref<44040192xf32, #tpu.memory_space<hbm>> -> memref<2048xf32, #tpu.memory_space<hbm>>
      %dma_wait3A_301 = tpu.memref_slice %arg6[%add3A_155] : memref<44040192xf32, #tpu.memory_space<hbm>> -> memref<2048xf32, #tpu.memory_space<hbm>>
      %dma_wait3A_302 = arith.constant 24576 : i32
      %dma_wait3A_303 = tpu.memref_slice %arg9[%dma_wait3A_302] : memref<43008xf32, #tpu.memory_space<vmem>> -> memref<2048xf32, #tpu.memory_space<vmem>>
      tpu.wait_dma2 semaphore(%arg15 : memref<!tpu.dma_semaphore, #tpu.memory_space<semaphore_mem>>) src(%dma_wait3A_303 : memref<2048xf32, #tpu.memory_space<vmem>>) dst(%dma_wait3A_301 : memref<2048xf32, #tpu.memory_space<hbm>>)
      %dma_wait3A_304 = arith.constant 26624 : i32
      %dma_wait3A_305 = tpu.memref_slice %arg9[%dma_wait3A_304] : memref<43008xf32, #tpu.memory_space<vmem>> -> memref<2048xf32, #tpu.memory_space<vmem>>
      %dma_wait3A_306 = tpu.memref_slice %arg6[%add3A_163] : memref<44040192xf32, #tpu.memory_space<hbm>> -> memref<2048xf32, #tpu.memory_space<hbm>>
      %dma_wait3A_307 = tpu.memref_slice %arg6[%add3A_163] : memref<44040192xf32, #tpu.memory_space<hbm>> -> memref<2048xf32, #tpu.memory_space<hbm>>
      %dma_wait3A_308 = arith.constant 26624 : i32
      %dma_wait3A_309 = tpu.memref_slice %arg9[%dma_wait3A_308] : memref<43008xf32, #tpu.memory_space<vmem>> -> memref<2048xf32, #tpu.memory_space<vmem>>
      tpu.wait_dma2 semaphore(%arg15 : memref<!tpu.dma_semaphore, #tpu.memory_space<semaphore_mem>>) src(%dma_wait3A_309 : memref<2048xf32, #tpu.memory_space<vmem>>) dst(%dma_wait3A_307 : memref<2048xf32, #tpu.memory_space<hbm>>)
      %dma_wait3A_310 = arith.constant 28672 : i32
      %dma_wait3A_311 = tpu.memref_slice %arg9[%dma_wait3A_310] : memref<43008xf32, #tpu.memory_space<vmem>> -> memref<2048xf32, #tpu.memory_space<vmem>>
      %dma_wait3A_312 = tpu.memref_slice %arg6[%add3A_171] : memref<44040192xf32, #tpu.memory_space<hbm>> -> memref<2048xf32, #tpu.memory_space<hbm>>
      %dma_wait3A_313 = tpu.memref_slice %arg6[%add3A_171] : memref<44040192xf32, #tpu.memory_space<hbm>> -> memref<2048xf32, #tpu.memory_space<hbm>>
      %dma_wait3A_314 = arith.constant 28672 : i32
      %dma_wait3A_315 = tpu.memref_slice %arg9[%dma_wait3A_314] : memref<43008xf32, #tpu.memory_space<vmem>> -> memref<2048xf32, #tpu.memory_space<vmem>>
      tpu.wait_dma2 semaphore(%arg15 : memref<!tpu.dma_semaphore, #tpu.memory_space<semaphore_mem>>) src(%dma_wait3A_315 : memref<2048xf32, #tpu.memory_space<vmem>>) dst(%dma_wait3A_313 : memref<2048xf32, #tpu.memory_space<hbm>>)
      %dma_wait3A_316 = arith.constant 30720 : i32
      %dma_wait3A_317 = tpu.memref_slice %arg9[%dma_wait3A_316] : memref<43008xf32, #tpu.memory_space<vmem>> -> memref<2048xf32, #tpu.memory_space<vmem>>
      %dma_wait3A_318 = tpu.memref_slice %arg6[%add3A_179] : memref<44040192xf32, #tpu.memory_space<hbm>> -> memref<2048xf32, #tpu.memory_space<hbm>>
      %dma_wait3A_319 = tpu.memref_slice %arg6[%add3A_179] : memref<44040192xf32, #tpu.memory_space<hbm>> -> memref<2048xf32, #tpu.memory_space<hbm>>
      %dma_wait3A_320 = arith.constant 30720 : i32
      %dma_wait3A_321 = tpu.memref_slice %arg9[%dma_wait3A_320] : memref<43008xf32, #tpu.memory_space<vmem>> -> memref<2048xf32, #tpu.memory_space<vmem>>
      tpu.wait_dma2 semaphore(%arg15 : memref<!tpu.dma_semaphore, #tpu.memory_space<semaphore_mem>>) src(%dma_wait3A_321 : memref<2048xf32, #tpu.memory_space<vmem>>) dst(%dma_wait3A_319 : memref<2048xf32, #tpu.memory_space<hbm>>)
      %dma_wait3A_322 = arith.constant 32768 : i32
      %dma_wait3A_323 = tpu.memref_slice %arg9[%dma_wait3A_322] : memref<43008xf32, #tpu.memory_space<vmem>> -> memref<2048xf32, #tpu.memory_space<vmem>>
      %dma_wait3A_324 = tpu.memref_slice %arg6[%add3A_187] : memref<44040192xf32, #tpu.memory_space<hbm>> -> memref<2048xf32, #tpu.memory_space<hbm>>
      %dma_wait3A_325 = tpu.memref_slice %arg6[%add3A_187] : memref<44040192xf32, #tpu.memory_space<hbm>> -> memref<2048xf32, #tpu.memory_space<hbm>>
      %dma_wait3A_326 = arith.constant 32768 : i32
      %dma_wait3A_327 = tpu.memref_slice %arg9[%dma_wait3A_326] : memref<43008xf32, #tpu.memory_space<vmem>> -> memref<2048xf32, #tpu.memory_space<vmem>>
      tpu.wait_dma2 semaphore(%arg15 : memref<!tpu.dma_semaphore, #tpu.memory_space<semaphore_mem>>) src(%dma_wait3A_327 : memref<2048xf32, #tpu.memory_space<vmem>>) dst(%dma_wait3A_325 : memref<2048xf32, #tpu.memory_space<hbm>>)
      %dma_wait3A_328 = arith.constant 34816 : i32
      %dma_wait3A_329 = tpu.memref_slice %arg9[%dma_wait3A_328] : memref<43008xf32, #tpu.memory_space<vmem>> -> memref<2048xf32, #tpu.memory_space<vmem>>
      %dma_wait3A_330 = tpu.memref_slice %arg6[%add3A_195] : memref<44040192xf32, #tpu.memory_space<hbm>> -> memref<2048xf32, #tpu.memory_space<hbm>>
      %dma_wait3A_331 = tpu.memref_slice %arg6[%add3A_195] : memref<44040192xf32, #tpu.memory_space<hbm>> -> memref<2048xf32, #tpu.memory_space<hbm>>
      %dma_wait3A_332 = arith.constant 34816 : i32
      %dma_wait3A_333 = tpu.memref_slice %arg9[%dma_wait3A_332] : memref<43008xf32, #tpu.memory_space<vmem>> -> memref<2048xf32, #tpu.memory_space<vmem>>
      tpu.wait_dma2 semaphore(%arg15 : memref<!tpu.dma_semaphore, #tpu.memory_space<semaphore_mem>>) src(%dma_wait3A_333 : memref<2048xf32, #tpu.memory_space<vmem>>) dst(%dma_wait3A_331 : memref<2048xf32, #tpu.memory_space<hbm>>)
      %dma_wait3A_334 = arith.constant 36864 : i32
      %dma_wait3A_335 = tpu.memref_slice %arg9[%dma_wait3A_334] : memref<43008xf32, #tpu.memory_space<vmem>> -> memref<2048xf32, #tpu.memory_space<vmem>>
      %dma_wait3A_336 = tpu.memref_slice %arg6[%add3A_203] : memref<44040192xf32, #tpu.memory_space<hbm>> -> memref<2048xf32, #tpu.memory_space<hbm>>
      %dma_wait3A_337 = tpu.memref_slice %arg6[%add3A_203] : memref<44040192xf32, #tpu.memory_space<hbm>> -> memref<2048xf32, #tpu.memory_space<hbm>>
      %dma_wait3A_338 = arith.constant 36864 : i32
      %dma_wait3A_339 = tpu.memref_slice %arg9[%dma_wait3A_338] : memref<43008xf32, #tpu.memory_space<vmem>> -> memref<2048xf32, #tpu.memory_space<vmem>>
      tpu.wait_dma2 semaphore(%arg15 : memref<!tpu.dma_semaphore, #tpu.memory_space<semaphore_mem>>) src(%dma_wait3A_339 : memref<2048xf32, #tpu.memory_space<vmem>>) dst(%dma_wait3A_337 : memref<2048xf32, #tpu.memory_space<hbm>>)
      %dma_wait3A_340 = arith.constant 38912 : i32
      %dma_wait3A_341 = tpu.memref_slice %arg9[%dma_wait3A_340] : memref<43008xf32, #tpu.memory_space<vmem>> -> memref<2048xf32, #tpu.memory_space<vmem>>
      %dma_wait3A_342 = tpu.memref_slice %arg6[%add3A_211] : memref<44040192xf32, #tpu.memory_space<hbm>> -> memref<2048xf32, #tpu.memory_space<hbm>>
      %dma_wait3A_343 = tpu.memref_slice %arg6[%add3A_211] : memref<44040192xf32, #tpu.memory_space<hbm>> -> memref<2048xf32, #tpu.memory_space<hbm>>
      %dma_wait3A_344 = arith.constant 38912 : i32
      %dma_wait3A_345 = tpu.memref_slice %arg9[%dma_wait3A_344] : memref<43008xf32, #tpu.memory_space<vmem>> -> memref<2048xf32, #tpu.memory_space<vmem>>
      tpu.wait_dma2 semaphore(%arg15 : memref<!tpu.dma_semaphore, #tpu.memory_space<semaphore_mem>>) src(%dma_wait3A_345 : memref<2048xf32, #tpu.memory_space<vmem>>) dst(%dma_wait3A_343 : memref<2048xf32, #tpu.memory_space<hbm>>)
      %dma_wait3A_346 = arith.constant 40960 : i32
      %dma_wait3A_347 = tpu.memref_slice %arg9[%dma_wait3A_346] : memref<43008xf32, #tpu.memory_space<vmem>> -> memref<2048xf32, #tpu.memory_space<vmem>>
      %dma_wait3A_348 = tpu.memref_slice %arg6[%add3A_219] : memref<44040192xf32, #tpu.memory_space<hbm>> -> memref<2048xf32, #tpu.memory_space<hbm>>
      %dma_wait3A_349 = tpu.memref_slice %arg6[%add3A_219] : memref<44040192xf32, #tpu.memory_space<hbm>> -> memref<2048xf32, #tpu.memory_space<hbm>>
      %dma_wait3A_350 = arith.constant 40960 : i32
      %dma_wait3A_351 = tpu.memref_slice %arg9[%dma_wait3A_350] : memref<43008xf32, #tpu.memory_space<vmem>> -> memref<2048xf32, #tpu.memory_space<vmem>>
      tpu.wait_dma2 semaphore(%arg15 : memref<!tpu.dma_semaphore, #tpu.memory_space<semaphore_mem>>) src(%dma_wait3A_351 : memref<2048xf32, #tpu.memory_space<vmem>>) dst(%dma_wait3A_349 : memref<2048xf32, #tpu.memory_space<hbm>>)
      %mul3A_352 = arith.constant 2 : i32
      %mul3A_353 = arith.muli %scan3A_8, %mul3A_352 : i32
      %add3A_354 = arith.constant 1 : i32
      %add3A_355 = arith.addi %mul3A_353, %add3A_354 : i32
      %mul3A_356 = arith.constant 32 : i32
      %mul3A_357 = arith.muli %add3A, %mul3A_356 : i32
      %add3A_358 = arith.addi %mul3A_357, %add3A_355 : i32
      %jit3A_359 = arith.constant 128 : i32
      %div3A_360 = arith.divsi %add3A_358, %jit3A_359 : i32
      %sign3A_361 = arith.constant 0 : i32
      %sign3A_362 = arith.cmpi sgt, %add3A_358, %sign3A_361 : i32
      %sign3A_363 = arith.extui %sign3A_362 : i1 to i32
      %sign3A_364 = arith.constant 0 : i32
      %sign3A_365 = arith.cmpi slt, %add3A_358, %sign3A_364 : i32
      %sign3A_366 = arith.extui %sign3A_365 : i1 to i32
      %sign3A_367 = arith.subi %sign3A_363, %sign3A_366 : i32
      %sign3A_368 = arith.constant 0 : i32
      %sign3A_369 = arith.cmpi sgt, %jit3A_359, %sign3A_368 : i32
      %sign3A_370 = arith.extui %sign3A_369 : i1 to i32
      %sign3A_371 = arith.constant 0 : i32
      %sign3A_372 = arith.cmpi slt, %jit3A_359, %sign3A_371 : i32
      %sign3A_373 = arith.extui %sign3A_372 : i1 to i32
      %sign3A_374 = arith.subi %sign3A_370, %sign3A_373 : i32
      %ne3A_375 = arith.cmpi ne, %sign3A_367, %sign3A_374 : i32
      %rem3A_376 = arith.remsi %add3A_358, %jit3A_359 : i32
      %ne3A_377 = arith.constant 0 : i32
      %ne3A_378 = arith.cmpi ne, %rem3A_376, %ne3A_377 : i32
      %and3A_379 = arith.andi %ne3A_375, %ne3A_378 : i1
      %sub3A_380 = arith.constant 1 : i32
      %sub3A_381 = arith.subi %div3A_360, %sub3A_380 : i32
      %select_n3A_382 = arith.select %and3A_379, %sub3A_381, %div3A_360 : i32
      %rem3A_383 = arith.constant 128 : i32
      %rem3A_384 = arith.remsi %add3A_358, %rem3A_383 : i32
      %scan3A_385 = arith.constant 0 : i32
      %scan3A_386 = arith.constant 0 : i32
      %scan3A_387 = arith.constant 128 : i32
      %scan3A_388 = arith.addi %scan3A_386, %scan3A_387 : i32
      %scan3A_389 = arith.constant 1 : i32
      %scan3A_390 = scf.for %scan3A_705 = %scan3A_386 to %scan3A_388 step %scan3A_389 iter_args(%scan3A_706 = %scan3A_385) -> (i32)  : i32 {
        %mul3A_707 = arith.constant 16 : i32
        %mul3A_708 = arith.muli %scan3A_705, %mul3A_707 : i32
        %get3A_709 = arith.index_cast %mul3A_708 : i32 to index
        %get3A_710 = tpu.vector_load %arg8[%get3A_709] {strides = array<i32>} : memref<2048xi32, #tpu.memory_space<vmem>>, vector<16xi32>,
        %jit3A_711 = arith.constant 0 : i32
        %jit3A_712 = arith.constant 20 : i32
        %max3A = vector.broadcast %jit3A_711 : i32 to vector<16xi32>
        %max3A_713 = arith.maxsi %max3A, %get3A_710 : vector<16xi32>
        %min3A = vector.broadcast %jit3A_712 : i32 to vector<16xi32>
        %min3A_714 = arith.minsi %min3A, %max3A_713 : vector<16xi32>
        %ne3A_715 = arith.cmpi ne, %get3A_710, %get3A_1 : vector<16xi32>
        %mul3A_716 = arith.constant 16 : i32
        %mul3A_717 = arith.muli %scan3A_705, %mul3A_716 : i32
        %add3A_718 = vector.broadcast %mul3A_717 : i32 to vector<16xi32>
        %add3A_719 = arith.addi %add3A_718, %iota3A : vector<16xi32>
        %mul3A_720 = arith.constant 2048 : i32
        %mul3A_721 = vector.broadcast %mul3A_720 : i32 to vector<16xi32>
        %mul3A_722 = arith.muli %min3A_714, %mul3A_721 : vector<16xi32>
        %add3A_723 = arith.addi %mul3A_722, %add3A_719 : vector<16xi32>
        %broadcast_in_dim3A = arith.constant 0.000000e+00 : f32
        %broadcast_in_dim3A_724 = vector.broadcast %broadcast_in_dim3A : f32 to vector<16xf32>
        tpu.vector_store_idx %arg10[%add3A_723], %broadcast_in_dim3A_724 masked %ne3A_715 : memref<43008xf32, #tpu.memory_space<vmem>>[vector<16xi32>], vector<16xf32>, vector<16xi1>
        %scan3A_725 = arith.constant 0 : i32
        scf.yield %scan3A_725 : i32
      }
      %scan3A_391 = arith.constant 128 : i32
      %mul3A_392 = arith.constant 2048 : i32
      %mul3A_393 = arith.muli %add3A_358, %mul3A_392 : i32
      %dma_start3A_394 = tpu.memref_slice %arg2[%mul3A_393] : memref<2097152xi32, #tpu.memory_space<hbm>> -> memref<2048xi32, #tpu.memory_space<hbm>>
      %dma_start3A_395 = tpu.memref_slice %arg2[%mul3A_393] : memref<2097152xi32, #tpu.memory_space<hbm>> -> memref<2048xi32, #tpu.memory_space<hbm>>
      tpu.enqueue_dma source(%dma_start3A_395 : memref<2048xi32, #tpu.memory_space<hbm>>) target(%arg8 : memref<2048xi32, #tpu.memory_space<vmem>>) target_semaphore(%arg14 : memref<!tpu.dma_semaphore, #tpu.memory_space<semaphore_mem>>)
      %dma_wait3A_396 = tpu.memref_slice %arg2[%mul3A_393] : memref<2097152xi32, #tpu.memory_space<hbm>> -> memref<2048xi32, #tpu.memory_space<hbm>>
      %dma_wait3A_397 = tpu.memref_slice %arg2[%mul3A_393] : memref<2097152xi32, #tpu.memory_space<hbm>> -> memref<2048xi32, #tpu.memory_space<hbm>>
      tpu.wait_dma2 semaphore(%arg14 : memref<!tpu.dma_semaphore, #tpu.memory_space<semaphore_mem>>) src(%dma_wait3A_397 : memref<2048xi32, #tpu.memory_space<hbm>>) dst(%arg8 : memref<2048xi32, #tpu.memory_space<vmem>>)
      %scan3A_398 = arith.constant 0 : i32
      %scan3A_399 = arith.constant 0 : i32
      %scan3A_400 = arith.constant 128 : i32
      %scan3A_401 = arith.addi %scan3A_399, %scan3A_400 : i32
      %scan3A_402 = arith.constant 1 : i32
      %scan3A_403 = scf.for %scan3A_705 = %scan3A_399 to %scan3A_401 step %scan3A_402 iter_args(%scan3A_706 = %scan3A_398) -> (i32)  : i32 {
        %mul3A_707 = arith.constant 16 : i32
        %mul3A_708 = arith.muli %scan3A_705, %mul3A_707 : i32
        %get3A_709 = arith.index_cast %mul3A_708 : i32 to index
        %get3A_710 = tpu.vector_load %arg8[%get3A_709] {strides = array<i32>} : memref<2048xi32, #tpu.memory_space<vmem>>, vector<16xi32>,
        %jit3A_711 = arith.constant 0 : i32
        %jit3A_712 = arith.constant 20 : i32
        %max3A = vector.broadcast %jit3A_711 : i32 to vector<16xi32>
        %max3A_713 = arith.maxsi %max3A, %get3A_710 : vector<16xi32>
        %min3A = vector.broadcast %jit3A_712 : i32 to vector<16xi32>
        %min3A_714 = arith.minsi %min3A, %max3A_713 : vector<16xi32>
        %ne3A_715 = arith.cmpi ne, %get3A_710, %get3A_1 : vector<16xi32>
        %mul3A_716 = arith.constant 16 : i32
        %mul3A_717 = arith.muli %scan3A_705, %mul3A_716 : i32
        %add3A_718 = vector.broadcast %mul3A_717 : i32 to vector<16xi32>
        %add3A_719 = arith.addi %add3A_718, %iota3A : vector<16xi32>
        %mul3A_720 = arith.constant 2048 : i32
        %mul3A_721 = vector.broadcast %mul3A_720 : i32 to vector<16xi32>
        %mul3A_722 = arith.muli %min3A_714, %mul3A_721 : vector<16xi32>
        %add3A_723 = arith.addi %mul3A_722, %add3A_719 : vector<16xi32>
        %gather3A = tpu.vector_load_idx %arg11[%min3A_714] : memref<32xf32, #tpu.memory_space<vmem>>[vector<16xi32>], vector<16xf32>,
        tpu.vector_store_idx %arg10[%add3A_723], %gather3A masked %ne3A_715 : memref<43008xf32, #tpu.memory_space<vmem>>[vector<16xi32>], vector<16xf32>, vector<16xi1>
        %scan3A_724 = arith.constant 0 : i32
        scf.yield %scan3A_724 : i32
      }
      %scan3A_404 = arith.constant 128 : i32
      %mul3A_405 = arith.constant 5505024 : i32
      %mul3A_406 = arith.muli %select_n3A_382, %mul3A_405 : i32
      %mul3A_407 = arith.constant 2048 : i32
      %mul3A_408 = arith.muli %rem3A_384, %mul3A_407 : i32
      %add3A_409 = arith.addi %mul3A_406, %mul3A_408 : i32
      %add3A_410 = arith.constant 0 : i32
      %add3A_411 = arith.addi %add3A_409, %add3A_410 : i32
      %dma_start3A_412 = arith.constant 0 : i32
      %dma_start3A_413 = tpu.memref_slice %arg10[%dma_start3A_412] : memref<43008xf32, #tpu.memory_space<vmem>> -> memref<2048xf32, #tpu.memory_space<vmem>>
      %dma_start3A_414 = tpu.memref_slice %arg6[%add3A_411] : memref<44040192xf32, #tpu.memory_space<hbm>> -> memref<2048xf32, #tpu.memory_space<hbm>>
      %dma_start3A_415 = tpu.memref_slice %arg6[%add3A_411] : memref<44040192xf32, #tpu.memory_space<hbm>> -> memref<2048xf32, #tpu.memory_space<hbm>>
      %dma_start3A_416 = arith.constant 0 : i32
      %dma_start3A_417 = tpu.memref_slice %arg10[%dma_start3A_416] : memref<43008xf32, #tpu.memory_space<vmem>> -> memref<2048xf32, #tpu.memory_space<vmem>>
      tpu.enqueue_dma source(%dma_start3A_417 : memref<2048xf32, #tpu.memory_space<vmem>>) target(%dma_start3A_415 : memref<2048xf32, #tpu.memory_space<hbm>>) target_semaphore(%arg16 : memref<!tpu.dma_semaphore, #tpu.memory_space<semaphore_mem>>)
      %add3A_418 = arith.constant 262144 : i32
      %add3A_419 = arith.addi %add3A_409, %add3A_418 : i32
      %dma_start3A_420 = arith.constant 2048 : i32
      %dma_start3A_421 = tpu.memref_slice %arg10[%dma_start3A_420] : memref<43008xf32, #tpu.memory_space<vmem>> -> memref<2048xf32, #tpu.memory_space<vmem>>
      %dma_start3A_422 = tpu.memref_slice %arg6[%add3A_419] : memref<44040192xf32, #tpu.memory_space<hbm>> -> memref<2048xf32, #tpu.memory_space<hbm>>
      %dma_start3A_423 = tpu.memref_slice %arg6[%add3A_419] : memref<44040192xf32, #tpu.memory_space<hbm>> -> memref<2048xf32, #tpu.memory_space<hbm>>
      %dma_start3A_424 = arith.constant 2048 : i32
      %dma_start3A_425 = tpu.memref_slice %arg10[%dma_start3A_424] : memref<43008xf32, #tpu.memory_space<vmem>> -> memref<2048xf32, #tpu.memory_space<vmem>>
      tpu.enqueue_dma source(%dma_start3A_425 : memref<2048xf32, #tpu.memory_space<vmem>>) target(%dma_start3A_423 : memref<2048xf32, #tpu.memory_space<hbm>>) target_semaphore(%arg16 : memref<!tpu.dma_semaphore, #tpu.memory_space<semaphore_mem>>)
      %add3A_426 = arith.constant 524288 : i32
      %add3A_427 = arith.addi %add3A_409, %add3A_426 : i32
      %dma_start3A_428 = arith.constant 4096 : i32
      %dma_start3A_429 = tpu.memref_slice %arg10[%dma_start3A_428] : memref<43008xf32, #tpu.memory_space<vmem>> -> memref<2048xf32, #tpu.memory_space<vmem>>
      %dma_start3A_430 = tpu.memref_slice %arg6[%add3A_427] : memref<44040192xf32, #tpu.memory_space<hbm>> -> memref<2048xf32, #tpu.memory_space<hbm>>
      %dma_start3A_431 = tpu.memref_slice %arg6[%add3A_427] : memref<44040192xf32, #tpu.memory_space<hbm>> -> memref<2048xf32, #tpu.memory_space<hbm>>
      %dma_start3A_432 = arith.constant 4096 : i32
      %dma_start3A_433 = tpu.memref_slice %arg10[%dma_start3A_432] : memref<43008xf32, #tpu.memory_space<vmem>> -> memref<2048xf32, #tpu.memory_space<vmem>>
      tpu.enqueue_dma source(%dma_start3A_433 : memref<2048xf32, #tpu.memory_space<vmem>>) target(%dma_start3A_431 : memref<2048xf32, #tpu.memory_space<hbm>>) target_semaphore(%arg16 : memref<!tpu.dma_semaphore, #tpu.memory_space<semaphore_mem>>)
      %add3A_434 = arith.constant 786432 : i32
      %add3A_435 = arith.addi %add3A_409, %add3A_434 : i32
      %dma_start3A_436 = arith.constant 6144 : i32
      %dma_start3A_437 = tpu.memref_slice %arg10[%dma_start3A_436] : memref<43008xf32, #tpu.memory_space<vmem>> -> memref<2048xf32, #tpu.memory_space<vmem>>
      %dma_start3A_438 = tpu.memref_slice %arg6[%add3A_435] : memref<44040192xf32, #tpu.memory_space<hbm>> -> memref<2048xf32, #tpu.memory_space<hbm>>
      %dma_start3A_439 = tpu.memref_slice %arg6[%add3A_435] : memref<44040192xf32, #tpu.memory_space<hbm>> -> memref<2048xf32, #tpu.memory_space<hbm>>
      %dma_start3A_440 = arith.constant 6144 : i32
      %dma_start3A_441 = tpu.memref_slice %arg10[%dma_start3A_440] : memref<43008xf32, #tpu.memory_space<vmem>> -> memref<2048xf32, #tpu.memory_space<vmem>>
      tpu.enqueue_dma source(%dma_start3A_441 : memref<2048xf32, #tpu.memory_space<vmem>>) target(%dma_start3A_439 : memref<2048xf32, #tpu.memory_space<hbm>>) target_semaphore(%arg16 : memref<!tpu.dma_semaphore, #tpu.memory_space<semaphore_mem>>)
      %add3A_442 = arith.constant 1048576 : i32
      %add3A_443 = arith.addi %add3A_409, %add3A_442 : i32
      %dma_start3A_444 = arith.constant 8192 : i32
      %dma_start3A_445 = tpu.memref_slice %arg10[%dma_start3A_444] : memref<43008xf32, #tpu.memory_space<vmem>> -> memref<2048xf32, #tpu.memory_space<vmem>>
      %dma_start3A_446 = tpu.memref_slice %arg6[%add3A_443] : memref<44040192xf32, #tpu.memory_space<hbm>> -> memref<2048xf32, #tpu.memory_space<hbm>>
      %dma_start3A_447 = tpu.memref_slice %arg6[%add3A_443] : memref<44040192xf32, #tpu.memory_space<hbm>> -> memref<2048xf32, #tpu.memory_space<hbm>>
      %dma_start3A_448 = arith.constant 8192 : i32
      %dma_start3A_449 = tpu.memref_slice %arg10[%dma_start3A_448] : memref<43008xf32, #tpu.memory_space<vmem>> -> memref<2048xf32, #tpu.memory_space<vmem>>
      tpu.enqueue_dma source(%dma_start3A_449 : memref<2048xf32, #tpu.memory_space<vmem>>) target(%dma_start3A_447 : memref<2048xf32, #tpu.memory_space<hbm>>) target_semaphore(%arg16 : memref<!tpu.dma_semaphore, #tpu.memory_space<semaphore_mem>>)
      %add3A_450 = arith.constant 1310720 : i32
      %add3A_451 = arith.addi %add3A_409, %add3A_450 : i32
      %dma_start3A_452 = arith.constant 10240 : i32
      %dma_start3A_453 = tpu.memref_slice %arg10[%dma_start3A_452] : memref<43008xf32, #tpu.memory_space<vmem>> -> memref<2048xf32, #tpu.memory_space<vmem>>
      %dma_start3A_454 = tpu.memref_slice %arg6[%add3A_451] : memref<44040192xf32, #tpu.memory_space<hbm>> -> memref<2048xf32, #tpu.memory_space<hbm>>
      %dma_start3A_455 = tpu.memref_slice %arg6[%add3A_451] : memref<44040192xf32, #tpu.memory_space<hbm>> -> memref<2048xf32, #tpu.memory_space<hbm>>
      %dma_start3A_456 = arith.constant 10240 : i32
      %dma_start3A_457 = tpu.memref_slice %arg10[%dma_start3A_456] : memref<43008xf32, #tpu.memory_space<vmem>> -> memref<2048xf32, #tpu.memory_space<vmem>>
      tpu.enqueue_dma source(%dma_start3A_457 : memref<2048xf32, #tpu.memory_space<vmem>>) target(%dma_start3A_455 : memref<2048xf32, #tpu.memory_space<hbm>>) target_semaphore(%arg16 : memref<!tpu.dma_semaphore, #tpu.memory_space<semaphore_mem>>)
      %add3A_458 = arith.constant 1572864 : i32
      %add3A_459 = arith.addi %add3A_409, %add3A_458 : i32
      %dma_start3A_460 = arith.constant 12288 : i32
      %dma_start3A_461 = tpu.memref_slice %arg10[%dma_start3A_460] : memref<43008xf32, #tpu.memory_space<vmem>> -> memref<2048xf32, #tpu.memory_space<vmem>>
      %dma_start3A_462 = tpu.memref_slice %arg6[%add3A_459] : memref<44040192xf32, #tpu.memory_space<hbm>> -> memref<2048xf32, #tpu.memory_space<hbm>>
      %dma_start3A_463 = tpu.memref_slice %arg6[%add3A_459] : memref<44040192xf32, #tpu.memory_space<hbm>> -> memref<2048xf32, #tpu.memory_space<hbm>>
      %dma_start3A_464 = arith.constant 12288 : i32
      %dma_start3A_465 = tpu.memref_slice %arg10[%dma_start3A_464] : memref<43008xf32, #tpu.memory_space<vmem>> -> memref<2048xf32, #tpu.memory_space<vmem>>
      tpu.enqueue_dma source(%dma_start3A_465 : memref<2048xf32, #tpu.memory_space<vmem>>) target(%dma_start3A_463 : memref<2048xf32, #tpu.memory_space<hbm>>) target_semaphore(%arg16 : memref<!tpu.dma_semaphore, #tpu.memory_space<semaphore_mem>>)
      %add3A_466 = arith.constant 1835008 : i32
      %add3A_467 = arith.addi %add3A_409, %add3A_466 : i32
      %dma_start3A_468 = arith.constant 14336 : i32
      %dma_start3A_469 = tpu.memref_slice %arg10[%dma_start3A_468] : memref<43008xf32, #tpu.memory_space<vmem>> -> memref<2048xf32, #tpu.memory_space<vmem>>
      %dma_start3A_470 = tpu.memref_slice %arg6[%add3A_467] : memref<44040192xf32, #tpu.memory_space<hbm>> -> memref<2048xf32, #tpu.memory_space<hbm>>
      %dma_start3A_471 = tpu.memref_slice %arg6[%add3A_467] : memref<44040192xf32, #tpu.memory_space<hbm>> -> memref<2048xf32, #tpu.memory_space<hbm>>
      %dma_start3A_472 = arith.constant 14336 : i32
      %dma_start3A_473 = tpu.memref_slice %arg10[%dma_start3A_472] : memref<43008xf32, #tpu.memory_space<vmem>> -> memref<2048xf32, #tpu.memory_space<vmem>>
      tpu.enqueue_dma source(%dma_start3A_473 : memref<2048xf32, #tpu.memory_space<vmem>>) target(%dma_start3A_471 : memref<2048xf32, #tpu.memory_space<hbm>>) target_semaphore(%arg16 : memref<!tpu.dma_semaphore, #tpu.memory_space<semaphore_mem>>)
      %add3A_474 = arith.constant 2097152 : i32
      %add3A_475 = arith.addi %add3A_409, %add3A_474 : i32
      %dma_start3A_476 = arith.constant 16384 : i32
      %dma_start3A_477 = tpu.memref_slice %arg10[%dma_start3A_476] : memref<43008xf32, #tpu.memory_space<vmem>> -> memref<2048xf32, #tpu.memory_space<vmem>>
      %dma_start3A_478 = tpu.memref_slice %arg6[%add3A_475] : memref<44040192xf32, #tpu.memory_space<hbm>> -> memref<2048xf32, #tpu.memory_space<hbm>>
      %dma_start3A_479 = tpu.memref_slice %arg6[%add3A_475] : memref<44040192xf32, #tpu.memory_space<hbm>> -> memref<2048xf32, #tpu.memory_space<hbm>>
      %dma_start3A_480 = arith.constant 16384 : i32
      %dma_start3A_481 = tpu.memref_slice %arg10[%dma_start3A_480] : memref<43008xf32, #tpu.memory_space<vmem>> -> memref<2048xf32, #tpu.memory_space<vmem>>
      tpu.enqueue_dma source(%dma_start3A_481 : memref<2048xf32, #tpu.memory_space<vmem>>) target(%dma_start3A_479 : memref<2048xf32, #tpu.memory_space<hbm>>) target_semaphore(%arg16 : memref<!tpu.dma_semaphore, #tpu.memory_space<semaphore_mem>>)
      %add3A_482 = arith.constant 2359296 : i32
      %add3A_483 = arith.addi %add3A_409, %add3A_482 : i32
      %dma_start3A_484 = arith.constant 18432 : i32
      %dma_start3A_485 = tpu.memref_slice %arg10[%dma_start3A_484] : memref<43008xf32, #tpu.memory_space<vmem>> -> memref<2048xf32, #tpu.memory_space<vmem>>
      %dma_start3A_486 = tpu.memref_slice %arg6[%add3A_483] : memref<44040192xf32, #tpu.memory_space<hbm>> -> memref<2048xf32, #tpu.memory_space<hbm>>
      %dma_start3A_487 = tpu.memref_slice %arg6[%add3A_483] : memref<44040192xf32, #tpu.memory_space<hbm>> -> memref<2048xf32, #tpu.memory_space<hbm>>
      %dma_start3A_488 = arith.constant 18432 : i32
      %dma_start3A_489 = tpu.memref_slice %arg10[%dma_start3A_488] : memref<43008xf32, #tpu.memory_space<vmem>> -> memref<2048xf32, #tpu.memory_space<vmem>>
      tpu.enqueue_dma source(%dma_start3A_489 : memref<2048xf32, #tpu.memory_space<vmem>>) target(%dma_start3A_487 : memref<2048xf32, #tpu.memory_space<hbm>>) target_semaphore(%arg16 : memref<!tpu.dma_semaphore, #tpu.memory_space<semaphore_mem>>)
      %add3A_490 = arith.constant 2621440 : i32
      %add3A_491 = arith.addi %add3A_409, %add3A_490 : i32
      %dma_start3A_492 = arith.constant 20480 : i32
      %dma_start3A_493 = tpu.memref_slice %arg10[%dma_start3A_492] : memref<43008xf32, #tpu.memory_space<vmem>> -> memref<2048xf32, #tpu.memory_space<vmem>>
      %dma_start3A_494 = tpu.memref_slice %arg6[%add3A_491] : memref<44040192xf32, #tpu.memory_space<hbm>> -> memref<2048xf32, #tpu.memory_space<hbm>>
      %dma_start3A_495 = tpu.memref_slice %arg6[%add3A_491] : memref<44040192xf32, #tpu.memory_space<hbm>> -> memref<2048xf32, #tpu.memory_space<hbm>>
      %dma_start3A_496 = arith.constant 20480 : i32
      %dma_start3A_497 = tpu.memref_slice %arg10[%dma_start3A_496] : memref<43008xf32, #tpu.memory_space<vmem>> -> memref<2048xf32, #tpu.memory_space<vmem>>
      tpu.enqueue_dma source(%dma_start3A_497 : memref<2048xf32, #tpu.memory_space<vmem>>) target(%dma_start3A_495 : memref<2048xf32, #tpu.memory_space<hbm>>) target_semaphore(%arg16 : memref<!tpu.dma_semaphore, #tpu.memory_space<semaphore_mem>>)
      %add3A_498 = arith.constant 2883584 : i32
      %add3A_499 = arith.addi %add3A_409, %add3A_498 : i32
      %dma_start3A_500 = arith.constant 22528 : i32
      %dma_start3A_501 = tpu.memref_slice %arg10[%dma_start3A_500] : memref<43008xf32, #tpu.memory_space<vmem>> -> memref<2048xf32, #tpu.memory_space<vmem>>
      %dma_start3A_502 = tpu.memref_slice %arg6[%add3A_499] : memref<44040192xf32, #tpu.memory_space<hbm>> -> memref<2048xf32, #tpu.memory_space<hbm>>
      %dma_start3A_503 = tpu.memref_slice %arg6[%add3A_499] : memref<44040192xf32, #tpu.memory_space<hbm>> -> memref<2048xf32, #tpu.memory_space<hbm>>
      %dma_start3A_504 = arith.constant 22528 : i32
      %dma_start3A_505 = tpu.memref_slice %arg10[%dma_start3A_504] : memref<43008xf32, #tpu.memory_space<vmem>> -> memref<2048xf32, #tpu.memory_space<vmem>>
      tpu.enqueue_dma source(%dma_start3A_505 : memref<2048xf32, #tpu.memory_space<vmem>>) target(%dma_start3A_503 : memref<2048xf32, #tpu.memory_space<hbm>>) target_semaphore(%arg16 : memref<!tpu.dma_semaphore, #tpu.memory_space<semaphore_mem>>)
      %add3A_506 = arith.constant 3145728 : i32
      %add3A_507 = arith.addi %add3A_409, %add3A_506 : i32
      %dma_start3A_508 = arith.constant 24576 : i32
      %dma_start3A_509 = tpu.memref_slice %arg10[%dma_start3A_508] : memref<43008xf32, #tpu.memory_space<vmem>> -> memref<2048xf32, #tpu.memory_space<vmem>>
      %dma_start3A_510 = tpu.memref_slice %arg6[%add3A_507] : memref<44040192xf32, #tpu.memory_space<hbm>> -> memref<2048xf32, #tpu.memory_space<hbm>>
      %dma_start3A_511 = tpu.memref_slice %arg6[%add3A_507] : memref<44040192xf32, #tpu.memory_space<hbm>> -> memref<2048xf32, #tpu.memory_space<hbm>>
      %dma_start3A_512 = arith.constant 24576 : i32
      %dma_start3A_513 = tpu.memref_slice %arg10[%dma_start3A_512] : memref<43008xf32, #tpu.memory_space<vmem>> -> memref<2048xf32, #tpu.memory_space<vmem>>
      tpu.enqueue_dma source(%dma_start3A_513 : memref<2048xf32, #tpu.memory_space<vmem>>) target(%dma_start3A_511 : memref<2048xf32, #tpu.memory_space<hbm>>) target_semaphore(%arg16 : memref<!tpu.dma_semaphore, #tpu.memory_space<semaphore_mem>>)
      %add3A_514 = arith.constant 3407872 : i32
      %add3A_515 = arith.addi %add3A_409, %add3A_514 : i32
      %dma_start3A_516 = arith.constant 26624 : i32
      %dma_start3A_517 = tpu.memref_slice %arg10[%dma_start3A_516] : memref<43008xf32, #tpu.memory_space<vmem>> -> memref<2048xf32, #tpu.memory_space<vmem>>
      %dma_start3A_518 = tpu.memref_slice %arg6[%add3A_515] : memref<44040192xf32, #tpu.memory_space<hbm>> -> memref<2048xf32, #tpu.memory_space<hbm>>
      %dma_start3A_519 = tpu.memref_slice %arg6[%add3A_515] : memref<44040192xf32, #tpu.memory_space<hbm>> -> memref<2048xf32, #tpu.memory_space<hbm>>
      %dma_start3A_520 = arith.constant 26624 : i32
      %dma_start3A_521 = tpu.memref_slice %arg10[%dma_start3A_520] : memref<43008xf32, #tpu.memory_space<vmem>> -> memref<2048xf32, #tpu.memory_space<vmem>>
      tpu.enqueue_dma source(%dma_start3A_521 : memref<2048xf32, #tpu.memory_space<vmem>>) target(%dma_start3A_519 : memref<2048xf32, #tpu.memory_space<hbm>>) target_semaphore(%arg16 : memref<!tpu.dma_semaphore, #tpu.memory_space<semaphore_mem>>)
      %add3A_522 = arith.constant 3670016 : i32
      %add3A_523 = arith.addi %add3A_409, %add3A_522 : i32
      %dma_start3A_524 = arith.constant 28672 : i32
      %dma_start3A_525 = tpu.memref_slice %arg10[%dma_start3A_524] : memref<43008xf32, #tpu.memory_space<vmem>> -> memref<2048xf32, #tpu.memory_space<vmem>>
      %dma_start3A_526 = tpu.memref_slice %arg6[%add3A_523] : memref<44040192xf32, #tpu.memory_space<hbm>> -> memref<2048xf32, #tpu.memory_space<hbm>>
      %dma_start3A_527 = tpu.memref_slice %arg6[%add3A_523] : memref<44040192xf32, #tpu.memory_space<hbm>> -> memref<2048xf32, #tpu.memory_space<hbm>>
      %dma_start3A_528 = arith.constant 28672 : i32
      %dma_start3A_529 = tpu.memref_slice %arg10[%dma_start3A_528] : memref<43008xf32, #tpu.memory_space<vmem>> -> memref<2048xf32, #tpu.memory_space<vmem>>
      tpu.enqueue_dma source(%dma_start3A_529 : memref<2048xf32, #tpu.memory_space<vmem>>) target(%dma_start3A_527 : memref<2048xf32, #tpu.memory_space<hbm>>) target_semaphore(%arg16 : memref<!tpu.dma_semaphore, #tpu.memory_space<semaphore_mem>>)
      %add3A_530 = arith.constant 3932160 : i32
      %add3A_531 = arith.addi %add3A_409, %add3A_530 : i32
      %dma_start3A_532 = arith.constant 30720 : i32
      %dma_start3A_533 = tpu.memref_slice %arg10[%dma_start3A_532] : memref<43008xf32, #tpu.memory_space<vmem>> -> memref<2048xf32, #tpu.memory_space<vmem>>
      %dma_start3A_534 = tpu.memref_slice %arg6[%add3A_531] : memref<44040192xf32, #tpu.memory_space<hbm>> -> memref<2048xf32, #tpu.memory_space<hbm>>
      %dma_start3A_535 = tpu.memref_slice %arg6[%add3A_531] : memref<44040192xf32, #tpu.memory_space<hbm>> -> memref<2048xf32, #tpu.memory_space<hbm>>
      %dma_start3A_536 = arith.constant 30720 : i32
      %dma_start3A_537 = tpu.memref_slice %arg10[%dma_start3A_536] : memref<43008xf32, #tpu.memory_space<vmem>> -> memref<2048xf32, #tpu.memory_space<vmem>>
      tpu.enqueue_dma source(%dma_start3A_537 : memref<2048xf32, #tpu.memory_space<vmem>>) target(%dma_start3A_535 : memref<2048xf32, #tpu.memory_space<hbm>>) target_semaphore(%arg16 : memref<!tpu.dma_semaphore, #tpu.memory_space<semaphore_mem>>)
      %add3A_538 = arith.constant 4194304 : i32
      %add3A_539 = arith.addi %add3A_409, %add3A_538 : i32
      %dma_start3A_540 = arith.constant 32768 : i32
      %dma_start3A_541 = tpu.memref_slice %arg10[%dma_start3A_540] : memref<43008xf32, #tpu.memory_space<vmem>> -> memref<2048xf32, #tpu.memory_space<vmem>>
      %dma_start3A_542 = tpu.memref_slice %arg6[%add3A_539] : memref<44040192xf32, #tpu.memory_space<hbm>> -> memref<2048xf32, #tpu.memory_space<hbm>>
      %dma_start3A_543 = tpu.memref_slice %arg6[%add3A_539] : memref<44040192xf32, #tpu.memory_space<hbm>> -> memref<2048xf32, #tpu.memory_space<hbm>>
      %dma_start3A_544 = arith.constant 32768 : i32
      %dma_start3A_545 = tpu.memref_slice %arg10[%dma_start3A_544] : memref<43008xf32, #tpu.memory_space<vmem>> -> memref<2048xf32, #tpu.memory_space<vmem>>
      tpu.enqueue_dma source(%dma_start3A_545 : memref<2048xf32, #tpu.memory_space<vmem>>) target(%dma_start3A_543 : memref<2048xf32, #tpu.memory_space<hbm>>) target_semaphore(%arg16 : memref<!tpu.dma_semaphore, #tpu.memory_space<semaphore_mem>>)
      %add3A_546 = arith.constant 4456448 : i32
      %add3A_547 = arith.addi %add3A_409, %add3A_546 : i32
      %dma_start3A_548 = arith.constant 34816 : i32
      %dma_start3A_549 = tpu.memref_slice %arg10[%dma_start3A_548] : memref<43008xf32, #tpu.memory_space<vmem>> -> memref<2048xf32, #tpu.memory_space<vmem>>
      %dma_start3A_550 = tpu.memref_slice %arg6[%add3A_547] : memref<44040192xf32, #tpu.memory_space<hbm>> -> memref<2048xf32, #tpu.memory_space<hbm>>
      %dma_start3A_551 = tpu.memref_slice %arg6[%add3A_547] : memref<44040192xf32, #tpu.memory_space<hbm>> -> memref<2048xf32, #tpu.memory_space<hbm>>
      %dma_start3A_552 = arith.constant 34816 : i32
      %dma_start3A_553 = tpu.memref_slice %arg10[%dma_start3A_552] : memref<43008xf32, #tpu.memory_space<vmem>> -> memref<2048xf32, #tpu.memory_space<vmem>>
      tpu.enqueue_dma source(%dma_start3A_553 : memref<2048xf32, #tpu.memory_space<vmem>>) target(%dma_start3A_551 : memref<2048xf32, #tpu.memory_space<hbm>>) target_semaphore(%arg16 : memref<!tpu.dma_semaphore, #tpu.memory_space<semaphore_mem>>)
      %add3A_554 = arith.constant 4718592 : i32
      %add3A_555 = arith.addi %add3A_409, %add3A_554 : i32
      %dma_start3A_556 = arith.constant 36864 : i32
      %dma_start3A_557 = tpu.memref_slice %arg10[%dma_start3A_556] : memref<43008xf32, #tpu.memory_space<vmem>> -> memref<2048xf32, #tpu.memory_space<vmem>>
      %dma_start3A_558 = tpu.memref_slice %arg6[%add3A_555] : memref<44040192xf32, #tpu.memory_space<hbm>> -> memref<2048xf32, #tpu.memory_space<hbm>>
      %dma_start3A_559 = tpu.memref_slice %arg6[%add3A_555] : memref<44040192xf32, #tpu.memory_space<hbm>> -> memref<2048xf32, #tpu.memory_space<hbm>>
      %dma_start3A_560 = arith.constant 36864 : i32
      %dma_start3A_561 = tpu.memref_slice %arg10[%dma_start3A_560] : memref<43008xf32, #tpu.memory_space<vmem>> -> memref<2048xf32, #tpu.memory_space<vmem>>
      tpu.enqueue_dma source(%dma_start3A_561 : memref<2048xf32, #tpu.memory_space<vmem>>) target(%dma_start3A_559 : memref<2048xf32, #tpu.memory_space<hbm>>) target_semaphore(%arg16 : memref<!tpu.dma_semaphore, #tpu.memory_space<semaphore_mem>>)
      %add3A_562 = arith.constant 4980736 : i32
      %add3A_563 = arith.addi %add3A_409, %add3A_562 : i32
      %dma_start3A_564 = arith.constant 38912 : i32
      %dma_start3A_565 = tpu.memref_slice %arg10[%dma_start3A_564] : memref<43008xf32, #tpu.memory_space<vmem>> -> memref<2048xf32, #tpu.memory_space<vmem>>
      %dma_start3A_566 = tpu.memref_slice %arg6[%add3A_563] : memref<44040192xf32, #tpu.memory_space<hbm>> -> memref<2048xf32, #tpu.memory_space<hbm>>
      %dma_start3A_567 = tpu.memref_slice %arg6[%add3A_563] : memref<44040192xf32, #tpu.memory_space<hbm>> -> memref<2048xf32, #tpu.memory_space<hbm>>
      %dma_start3A_568 = arith.constant 38912 : i32
      %dma_start3A_569 = tpu.memref_slice %arg10[%dma_start3A_568] : memref<43008xf32, #tpu.memory_space<vmem>> -> memref<2048xf32, #tpu.memory_space<vmem>>
      tpu.enqueue_dma source(%dma_start3A_569 : memref<2048xf32, #tpu.memory_space<vmem>>) target(%dma_start3A_567 : memref<2048xf32, #tpu.memory_space<hbm>>) target_semaphore(%arg16 : memref<!tpu.dma_semaphore, #tpu.memory_space<semaphore_mem>>)
      %add3A_570 = arith.constant 5242880 : i32
      %add3A_571 = arith.addi %add3A_409, %add3A_570 : i32
      %dma_start3A_572 = arith.constant 40960 : i32
      %dma_start3A_573 = tpu.memref_slice %arg10[%dma_start3A_572] : memref<43008xf32, #tpu.memory_space<vmem>> -> memref<2048xf32, #tpu.memory_space<vmem>>
      %dma_start3A_574 = tpu.memref_slice %arg6[%add3A_571] : memref<44040192xf32, #tpu.memory_space<hbm>> -> memref<2048xf32, #tpu.memory_space<hbm>>
      %dma_start3A_575 = tpu.memref_slice %arg6[%add3A_571] : memref<44040192xf32, #tpu.memory_space<hbm>> -> memref<2048xf32, #tpu.memory_space<hbm>>
      %dma_start3A_576 = arith.constant 40960 : i32
      %dma_start3A_577 = tpu.memref_slice %arg10[%dma_start3A_576] : memref<43008xf32, #tpu.memory_space<vmem>> -> memref<2048xf32, #tpu.memory_space<vmem>>
      tpu.enqueue_dma source(%dma_start3A_577 : memref<2048xf32, #tpu.memory_space<vmem>>) target(%dma_start3A_575 : memref<2048xf32, #tpu.memory_space<hbm>>) target_semaphore(%arg16 : memref<!tpu.dma_semaphore, #tpu.memory_space<semaphore_mem>>)
      %dma_wait3A_578 = arith.constant 0 : i32
      %dma_wait3A_579 = tpu.memref_slice %arg10[%dma_wait3A_578] : memref<43008xf32, #tpu.memory_space<vmem>> -> memref<2048xf32, #tpu.memory_space<vmem>>
      %dma_wait3A_580 = tpu.memref_slice %arg6[%add3A_411] : memref<44040192xf32, #tpu.memory_space<hbm>> -> memref<2048xf32, #tpu.memory_space<hbm>>
      %dma_wait3A_581 = tpu.memref_slice %arg6[%add3A_411] : memref<44040192xf32, #tpu.memory_space<hbm>> -> memref<2048xf32, #tpu.memory_space<hbm>>
      %dma_wait3A_582 = arith.constant 0 : i32
      %dma_wait3A_583 = tpu.memref_slice %arg10[%dma_wait3A_582] : memref<43008xf32, #tpu.memory_space<vmem>> -> memref<2048xf32, #tpu.memory_space<vmem>>
      tpu.wait_dma2 semaphore(%arg16 : memref<!tpu.dma_semaphore, #tpu.memory_space<semaphore_mem>>) src(%dma_wait3A_583 : memref<2048xf32, #tpu.memory_space<vmem>>) dst(%dma_wait3A_581 : memref<2048xf32, #tpu.memory_space<hbm>>)
      %dma_wait3A_584 = arith.constant 2048 : i32
      %dma_wait3A_585 = tpu.memref_slice %arg10[%dma_wait3A_584] : memref<43008xf32, #tpu.memory_space<vmem>> -> memref<2048xf32, #tpu.memory_space<vmem>>
      %dma_wait3A_586 = tpu.memref_slice %arg6[%add3A_419] : memref<44040192xf32, #tpu.memory_space<hbm>> -> memref<2048xf32, #tpu.memory_space<hbm>>
      %dma_wait3A_587 = tpu.memref_slice %arg6[%add3A_419] : memref<44040192xf32, #tpu.memory_space<hbm>> -> memref<2048xf32, #tpu.memory_space<hbm>>
      %dma_wait3A_588 = arith.constant 2048 : i32
      %dma_wait3A_589 = tpu.memref_slice %arg10[%dma_wait3A_588] : memref<43008xf32, #tpu.memory_space<vmem>> -> memref<2048xf32, #tpu.memory_space<vmem>>
      tpu.wait_dma2 semaphore(%arg16 : memref<!tpu.dma_semaphore, #tpu.memory_space<semaphore_mem>>) src(%dma_wait3A_589 : memref<2048xf32, #tpu.memory_space<vmem>>) dst(%dma_wait3A_587 : memref<2048xf32, #tpu.memory_space<hbm>>)
      %dma_wait3A_590 = arith.constant 4096 : i32
      %dma_wait3A_591 = tpu.memref_slice %arg10[%dma_wait3A_590] : memref<43008xf32, #tpu.memory_space<vmem>> -> memref<2048xf32, #tpu.memory_space<vmem>>
      %dma_wait3A_592 = tpu.memref_slice %arg6[%add3A_427] : memref<44040192xf32, #tpu.memory_space<hbm>> -> memref<2048xf32, #tpu.memory_space<hbm>>
      %dma_wait3A_593 = tpu.memref_slice %arg6[%add3A_427] : memref<44040192xf32, #tpu.memory_space<hbm>> -> memref<2048xf32, #tpu.memory_space<hbm>>
      %dma_wait3A_594 = arith.constant 4096 : i32
      %dma_wait3A_595 = tpu.memref_slice %arg10[%dma_wait3A_594] : memref<43008xf32, #tpu.memory_space<vmem>> -> memref<2048xf32, #tpu.memory_space<vmem>>
      tpu.wait_dma2 semaphore(%arg16 : memref<!tpu.dma_semaphore, #tpu.memory_space<semaphore_mem>>) src(%dma_wait3A_595 : memref<2048xf32, #tpu.memory_space<vmem>>) dst(%dma_wait3A_593 : memref<2048xf32, #tpu.memory_space<hbm>>)
      %dma_wait3A_596 = arith.constant 6144 : i32
      %dma_wait3A_597 = tpu.memref_slice %arg10[%dma_wait3A_596] : memref<43008xf32, #tpu.memory_space<vmem>> -> memref<2048xf32, #tpu.memory_space<vmem>>
      %dma_wait3A_598 = tpu.memref_slice %arg6[%add3A_435] : memref<44040192xf32, #tpu.memory_space<hbm>> -> memref<2048xf32, #tpu.memory_space<hbm>>
      %dma_wait3A_599 = tpu.memref_slice %arg6[%add3A_435] : memref<44040192xf32, #tpu.memory_space<hbm>> -> memref<2048xf32, #tpu.memory_space<hbm>>
      %dma_wait3A_600 = arith.constant 6144 : i32
      %dma_wait3A_601 = tpu.memref_slice %arg10[%dma_wait3A_600] : memref<43008xf32, #tpu.memory_space<vmem>> -> memref<2048xf32, #tpu.memory_space<vmem>>
      tpu.wait_dma2 semaphore(%arg16 : memref<!tpu.dma_semaphore, #tpu.memory_space<semaphore_mem>>) src(%dma_wait3A_601 : memref<2048xf32, #tpu.memory_space<vmem>>) dst(%dma_wait3A_599 : memref<2048xf32, #tpu.memory_space<hbm>>)
      %dma_wait3A_602 = arith.constant 8192 : i32
      %dma_wait3A_603 = tpu.memref_slice %arg10[%dma_wait3A_602] : memref<43008xf32, #tpu.memory_space<vmem>> -> memref<2048xf32, #tpu.memory_space<vmem>>
      %dma_wait3A_604 = tpu.memref_slice %arg6[%add3A_443] : memref<44040192xf32, #tpu.memory_space<hbm>> -> memref<2048xf32, #tpu.memory_space<hbm>>
      %dma_wait3A_605 = tpu.memref_slice %arg6[%add3A_443] : memref<44040192xf32, #tpu.memory_space<hbm>> -> memref<2048xf32, #tpu.memory_space<hbm>>
      %dma_wait3A_606 = arith.constant 8192 : i32
      %dma_wait3A_607 = tpu.memref_slice %arg10[%dma_wait3A_606] : memref<43008xf32, #tpu.memory_space<vmem>> -> memref<2048xf32, #tpu.memory_space<vmem>>
      tpu.wait_dma2 semaphore(%arg16 : memref<!tpu.dma_semaphore, #tpu.memory_space<semaphore_mem>>) src(%dma_wait3A_607 : memref<2048xf32, #tpu.memory_space<vmem>>) dst(%dma_wait3A_605 : memref<2048xf32, #tpu.memory_space<hbm>>)
      %dma_wait3A_608 = arith.constant 10240 : i32
      %dma_wait3A_609 = tpu.memref_slice %arg10[%dma_wait3A_608] : memref<43008xf32, #tpu.memory_space<vmem>> -> memref<2048xf32, #tpu.memory_space<vmem>>
      %dma_wait3A_610 = tpu.memref_slice %arg6[%add3A_451] : memref<44040192xf32, #tpu.memory_space<hbm>> -> memref<2048xf32, #tpu.memory_space<hbm>>
      %dma_wait3A_611 = tpu.memref_slice %arg6[%add3A_451] : memref<44040192xf32, #tpu.memory_space<hbm>> -> memref<2048xf32, #tpu.memory_space<hbm>>
      %dma_wait3A_612 = arith.constant 10240 : i32
      %dma_wait3A_613 = tpu.memref_slice %arg10[%dma_wait3A_612] : memref<43008xf32, #tpu.memory_space<vmem>> -> memref<2048xf32, #tpu.memory_space<vmem>>
      tpu.wait_dma2 semaphore(%arg16 : memref<!tpu.dma_semaphore, #tpu.memory_space<semaphore_mem>>) src(%dma_wait3A_613 : memref<2048xf32, #tpu.memory_space<vmem>>) dst(%dma_wait3A_611 : memref<2048xf32, #tpu.memory_space<hbm>>)
      %dma_wait3A_614 = arith.constant 12288 : i32
      %dma_wait3A_615 = tpu.memref_slice %arg10[%dma_wait3A_614] : memref<43008xf32, #tpu.memory_space<vmem>> -> memref<2048xf32, #tpu.memory_space<vmem>>
      %dma_wait3A_616 = tpu.memref_slice %arg6[%add3A_459] : memref<44040192xf32, #tpu.memory_space<hbm>> -> memref<2048xf32, #tpu.memory_space<hbm>>
      %dma_wait3A_617 = tpu.memref_slice %arg6[%add3A_459] : memref<44040192xf32, #tpu.memory_space<hbm>> -> memref<2048xf32, #tpu.memory_space<hbm>>
      %dma_wait3A_618 = arith.constant 12288 : i32
      %dma_wait3A_619 = tpu.memref_slice %arg10[%dma_wait3A_618] : memref<43008xf32, #tpu.memory_space<vmem>> -> memref<2048xf32, #tpu.memory_space<vmem>>
      tpu.wait_dma2 semaphore(%arg16 : memref<!tpu.dma_semaphore, #tpu.memory_space<semaphore_mem>>) src(%dma_wait3A_619 : memref<2048xf32, #tpu.memory_space<vmem>>) dst(%dma_wait3A_617 : memref<2048xf32, #tpu.memory_space<hbm>>)
      %dma_wait3A_620 = arith.constant 14336 : i32
      %dma_wait3A_621 = tpu.memref_slice %arg10[%dma_wait3A_620] : memref<43008xf32, #tpu.memory_space<vmem>> -> memref<2048xf32, #tpu.memory_space<vmem>>
      %dma_wait3A_622 = tpu.memref_slice %arg6[%add3A_467] : memref<44040192xf32, #tpu.memory_space<hbm>> -> memref<2048xf32, #tpu.memory_space<hbm>>
      %dma_wait3A_623 = tpu.memref_slice %arg6[%add3A_467] : memref<44040192xf32, #tpu.memory_space<hbm>> -> memref<2048xf32, #tpu.memory_space<hbm>>
      %dma_wait3A_624 = arith.constant 14336 : i32
      %dma_wait3A_625 = tpu.memref_slice %arg10[%dma_wait3A_624] : memref<43008xf32, #tpu.memory_space<vmem>> -> memref<2048xf32, #tpu.memory_space<vmem>>
      tpu.wait_dma2 semaphore(%arg16 : memref<!tpu.dma_semaphore, #tpu.memory_space<semaphore_mem>>) src(%dma_wait3A_625 : memref<2048xf32, #tpu.memory_space<vmem>>) dst(%dma_wait3A_623 : memref<2048xf32, #tpu.memory_space<hbm>>)
      %dma_wait3A_626 = arith.constant 16384 : i32
      %dma_wait3A_627 = tpu.memref_slice %arg10[%dma_wait3A_626] : memref<43008xf32, #tpu.memory_space<vmem>> -> memref<2048xf32, #tpu.memory_space<vmem>>
      %dma_wait3A_628 = tpu.memref_slice %arg6[%add3A_475] : memref<44040192xf32, #tpu.memory_space<hbm>> -> memref<2048xf32, #tpu.memory_space<hbm>>
      %dma_wait3A_629 = tpu.memref_slice %arg6[%add3A_475] : memref<44040192xf32, #tpu.memory_space<hbm>> -> memref<2048xf32, #tpu.memory_space<hbm>>
      %dma_wait3A_630 = arith.constant 16384 : i32
      %dma_wait3A_631 = tpu.memref_slice %arg10[%dma_wait3A_630] : memref<43008xf32, #tpu.memory_space<vmem>> -> memref<2048xf32, #tpu.memory_space<vmem>>
      tpu.wait_dma2 semaphore(%arg16 : memref<!tpu.dma_semaphore, #tpu.memory_space<semaphore_mem>>) src(%dma_wait3A_631 : memref<2048xf32, #tpu.memory_space<vmem>>) dst(%dma_wait3A_629 : memref<2048xf32, #tpu.memory_space<hbm>>)
      %dma_wait3A_632 = arith.constant 18432 : i32
      %dma_wait3A_633 = tpu.memref_slice %arg10[%dma_wait3A_632] : memref<43008xf32, #tpu.memory_space<vmem>> -> memref<2048xf32, #tpu.memory_space<vmem>>
      %dma_wait3A_634 = tpu.memref_slice %arg6[%add3A_483] : memref<44040192xf32, #tpu.memory_space<hbm>> -> memref<2048xf32, #tpu.memory_space<hbm>>
      %dma_wait3A_635 = tpu.memref_slice %arg6[%add3A_483] : memref<44040192xf32, #tpu.memory_space<hbm>> -> memref<2048xf32, #tpu.memory_space<hbm>>
      %dma_wait3A_636 = arith.constant 18432 : i32
      %dma_wait3A_637 = tpu.memref_slice %arg10[%dma_wait3A_636] : memref<43008xf32, #tpu.memory_space<vmem>> -> memref<2048xf32, #tpu.memory_space<vmem>>
      tpu.wait_dma2 semaphore(%arg16 : memref<!tpu.dma_semaphore, #tpu.memory_space<semaphore_mem>>) src(%dma_wait3A_637 : memref<2048xf32, #tpu.memory_space<vmem>>) dst(%dma_wait3A_635 : memref<2048xf32, #tpu.memory_space<hbm>>)
      %dma_wait3A_638 = arith.constant 20480 : i32
      %dma_wait3A_639 = tpu.memref_slice %arg10[%dma_wait3A_638] : memref<43008xf32, #tpu.memory_space<vmem>> -> memref<2048xf32, #tpu.memory_space<vmem>>
      %dma_wait3A_640 = tpu.memref_slice %arg6[%add3A_491] : memref<44040192xf32, #tpu.memory_space<hbm>> -> memref<2048xf32, #tpu.memory_space<hbm>>
      %dma_wait3A_641 = tpu.memref_slice %arg6[%add3A_491] : memref<44040192xf32, #tpu.memory_space<hbm>> -> memref<2048xf32, #tpu.memory_space<hbm>>
      %dma_wait3A_642 = arith.constant 20480 : i32
      %dma_wait3A_643 = tpu.memref_slice %arg10[%dma_wait3A_642] : memref<43008xf32, #tpu.memory_space<vmem>> -> memref<2048xf32, #tpu.memory_space<vmem>>
      tpu.wait_dma2 semaphore(%arg16 : memref<!tpu.dma_semaphore, #tpu.memory_space<semaphore_mem>>) src(%dma_wait3A_643 : memref<2048xf32, #tpu.memory_space<vmem>>) dst(%dma_wait3A_641 : memref<2048xf32, #tpu.memory_space<hbm>>)
      %dma_wait3A_644 = arith.constant 22528 : i32
      %dma_wait3A_645 = tpu.memref_slice %arg10[%dma_wait3A_644] : memref<43008xf32, #tpu.memory_space<vmem>> -> memref<2048xf32, #tpu.memory_space<vmem>>
      %dma_wait3A_646 = tpu.memref_slice %arg6[%add3A_499] : memref<44040192xf32, #tpu.memory_space<hbm>> -> memref<2048xf32, #tpu.memory_space<hbm>>
      %dma_wait3A_647 = tpu.memref_slice %arg6[%add3A_499] : memref<44040192xf32, #tpu.memory_space<hbm>> -> memref<2048xf32, #tpu.memory_space<hbm>>
      %dma_wait3A_648 = arith.constant 22528 : i32
      %dma_wait3A_649 = tpu.memref_slice %arg10[%dma_wait3A_648] : memref<43008xf32, #tpu.memory_space<vmem>> -> memref<2048xf32, #tpu.memory_space<vmem>>
      tpu.wait_dma2 semaphore(%arg16 : memref<!tpu.dma_semaphore, #tpu.memory_space<semaphore_mem>>) src(%dma_wait3A_649 : memref<2048xf32, #tpu.memory_space<vmem>>) dst(%dma_wait3A_647 : memref<2048xf32, #tpu.memory_space<hbm>>)
      %dma_wait3A_650 = arith.constant 24576 : i32
      %dma_wait3A_651 = tpu.memref_slice %arg10[%dma_wait3A_650] : memref<43008xf32, #tpu.memory_space<vmem>> -> memref<2048xf32, #tpu.memory_space<vmem>>
      %dma_wait3A_652 = tpu.memref_slice %arg6[%add3A_507] : memref<44040192xf32, #tpu.memory_space<hbm>> -> memref<2048xf32, #tpu.memory_space<hbm>>
      %dma_wait3A_653 = tpu.memref_slice %arg6[%add3A_507] : memref<44040192xf32, #tpu.memory_space<hbm>> -> memref<2048xf32, #tpu.memory_space<hbm>>
      %dma_wait3A_654 = arith.constant 24576 : i32
      %dma_wait3A_655 = tpu.memref_slice %arg10[%dma_wait3A_654] : memref<43008xf32, #tpu.memory_space<vmem>> -> memref<2048xf32, #tpu.memory_space<vmem>>
      tpu.wait_dma2 semaphore(%arg16 : memref<!tpu.dma_semaphore, #tpu.memory_space<semaphore_mem>>) src(%dma_wait3A_655 : memref<2048xf32, #tpu.memory_space<vmem>>) dst(%dma_wait3A_653 : memref<2048xf32, #tpu.memory_space<hbm>>)
      %dma_wait3A_656 = arith.constant 26624 : i32
      %dma_wait3A_657 = tpu.memref_slice %arg10[%dma_wait3A_656] : memref<43008xf32, #tpu.memory_space<vmem>> -> memref<2048xf32, #tpu.memory_space<vmem>>
      %dma_wait3A_658 = tpu.memref_slice %arg6[%add3A_515] : memref<44040192xf32, #tpu.memory_space<hbm>> -> memref<2048xf32, #tpu.memory_space<hbm>>
      %dma_wait3A_659 = tpu.memref_slice %arg6[%add3A_515] : memref<44040192xf32, #tpu.memory_space<hbm>> -> memref<2048xf32, #tpu.memory_space<hbm>>
      %dma_wait3A_660 = arith.constant 26624 : i32
      %dma_wait3A_661 = tpu.memref_slice %arg10[%dma_wait3A_660] : memref<43008xf32, #tpu.memory_space<vmem>> -> memref<2048xf32, #tpu.memory_space<vmem>>
      tpu.wait_dma2 semaphore(%arg16 : memref<!tpu.dma_semaphore, #tpu.memory_space<semaphore_mem>>) src(%dma_wait3A_661 : memref<2048xf32, #tpu.memory_space<vmem>>) dst(%dma_wait3A_659 : memref<2048xf32, #tpu.memory_space<hbm>>)
      %dma_wait3A_662 = arith.constant 28672 : i32
      %dma_wait3A_663 = tpu.memref_slice %arg10[%dma_wait3A_662] : memref<43008xf32, #tpu.memory_space<vmem>> -> memref<2048xf32, #tpu.memory_space<vmem>>
      %dma_wait3A_664 = tpu.memref_slice %arg6[%add3A_523] : memref<44040192xf32, #tpu.memory_space<hbm>> -> memref<2048xf32, #tpu.memory_space<hbm>>
      %dma_wait3A_665 = tpu.memref_slice %arg6[%add3A_523] : memref<44040192xf32, #tpu.memory_space<hbm>> -> memref<2048xf32, #tpu.memory_space<hbm>>
      %dma_wait3A_666 = arith.constant 28672 : i32
      %dma_wait3A_667 = tpu.memref_slice %arg10[%dma_wait3A_666] : memref<43008xf32, #tpu.memory_space<vmem>> -> memref<2048xf32, #tpu.memory_space<vmem>>
      tpu.wait_dma2 semaphore(%arg16 : memref<!tpu.dma_semaphore, #tpu.memory_space<semaphore_mem>>) src(%dma_wait3A_667 : memref<2048xf32, #tpu.memory_space<vmem>>) dst(%dma_wait3A_665 : memref<2048xf32, #tpu.memory_space<hbm>>)
      %dma_wait3A_668 = arith.constant 30720 : i32
      %dma_wait3A_669 = tpu.memref_slice %arg10[%dma_wait3A_668] : memref<43008xf32, #tpu.memory_space<vmem>> -> memref<2048xf32, #tpu.memory_space<vmem>>
      %dma_wait3A_670 = tpu.memref_slice %arg6[%add3A_531] : memref<44040192xf32, #tpu.memory_space<hbm>> -> memref<2048xf32, #tpu.memory_space<hbm>>
      %dma_wait3A_671 = tpu.memref_slice %arg6[%add3A_531] : memref<44040192xf32, #tpu.memory_space<hbm>> -> memref<2048xf32, #tpu.memory_space<hbm>>
      %dma_wait3A_672 = arith.constant 30720 : i32
      %dma_wait3A_673 = tpu.memref_slice %arg10[%dma_wait3A_672] : memref<43008xf32, #tpu.memory_space<vmem>> -> memref<2048xf32, #tpu.memory_space<vmem>>
      tpu.wait_dma2 semaphore(%arg16 : memref<!tpu.dma_semaphore, #tpu.memory_space<semaphore_mem>>) src(%dma_wait3A_673 : memref<2048xf32, #tpu.memory_space<vmem>>) dst(%dma_wait3A_671 : memref<2048xf32, #tpu.memory_space<hbm>>)
      %dma_wait3A_674 = arith.constant 32768 : i32
      %dma_wait3A_675 = tpu.memref_slice %arg10[%dma_wait3A_674] : memref<43008xf32, #tpu.memory_space<vmem>> -> memref<2048xf32, #tpu.memory_space<vmem>>
      %dma_wait3A_676 = tpu.memref_slice %arg6[%add3A_539] : memref<44040192xf32, #tpu.memory_space<hbm>> -> memref<2048xf32, #tpu.memory_space<hbm>>
      %dma_wait3A_677 = tpu.memref_slice %arg6[%add3A_539] : memref<44040192xf32, #tpu.memory_space<hbm>> -> memref<2048xf32, #tpu.memory_space<hbm>>
      %dma_wait3A_678 = arith.constant 32768 : i32
      %dma_wait3A_679 = tpu.memref_slice %arg10[%dma_wait3A_678] : memref<43008xf32, #tpu.memory_space<vmem>> -> memref<2048xf32, #tpu.memory_space<vmem>>
      tpu.wait_dma2 semaphore(%arg16 : memref<!tpu.dma_semaphore, #tpu.memory_space<semaphore_mem>>) src(%dma_wait3A_679 : memref<2048xf32, #tpu.memory_space<vmem>>) dst(%dma_wait3A_677 : memref<2048xf32, #tpu.memory_space<hbm>>)
      %dma_wait3A_680 = arith.constant 34816 : i32
      %dma_wait3A_681 = tpu.memref_slice %arg10[%dma_wait3A_680] : memref<43008xf32, #tpu.memory_space<vmem>> -> memref<2048xf32, #tpu.memory_space<vmem>>
      %dma_wait3A_682 = tpu.memref_slice %arg6[%add3A_547] : memref<44040192xf32, #tpu.memory_space<hbm>> -> memref<2048xf32, #tpu.memory_space<hbm>>
      %dma_wait3A_683 = tpu.memref_slice %arg6[%add3A_547] : memref<44040192xf32, #tpu.memory_space<hbm>> -> memref<2048xf32, #tpu.memory_space<hbm>>
      %dma_wait3A_684 = arith.constant 34816 : i32
      %dma_wait3A_685 = tpu.memref_slice %arg10[%dma_wait3A_684] : memref<43008xf32, #tpu.memory_space<vmem>> -> memref<2048xf32, #tpu.memory_space<vmem>>
      tpu.wait_dma2 semaphore(%arg16 : memref<!tpu.dma_semaphore, #tpu.memory_space<semaphore_mem>>) src(%dma_wait3A_685 : memref<2048xf32, #tpu.memory_space<vmem>>) dst(%dma_wait3A_683 : memref<2048xf32, #tpu.memory_space<hbm>>)
      %dma_wait3A_686 = arith.constant 36864 : i32
      %dma_wait3A_687 = tpu.memref_slice %arg10[%dma_wait3A_686] : memref<43008xf32, #tpu.memory_space<vmem>> -> memref<2048xf32, #tpu.memory_space<vmem>>
      %dma_wait3A_688 = tpu.memref_slice %arg6[%add3A_555] : memref<44040192xf32, #tpu.memory_space<hbm>> -> memref<2048xf32, #tpu.memory_space<hbm>>
      %dma_wait3A_689 = tpu.memref_slice %arg6[%add3A_555] : memref<44040192xf32, #tpu.memory_space<hbm>> -> memref<2048xf32, #tpu.memory_space<hbm>>
      %dma_wait3A_690 = arith.constant 36864 : i32
      %dma_wait3A_691 = tpu.memref_slice %arg10[%dma_wait3A_690] : memref<43008xf32, #tpu.memory_space<vmem>> -> memref<2048xf32, #tpu.memory_space<vmem>>
      tpu.wait_dma2 semaphore(%arg16 : memref<!tpu.dma_semaphore, #tpu.memory_space<semaphore_mem>>) src(%dma_wait3A_691 : memref<2048xf32, #tpu.memory_space<vmem>>) dst(%dma_wait3A_689 : memref<2048xf32, #tpu.memory_space<hbm>>)
      %dma_wait3A_692 = arith.constant 38912 : i32
      %dma_wait3A_693 = tpu.memref_slice %arg10[%dma_wait3A_692] : memref<43008xf32, #tpu.memory_space<vmem>> -> memref<2048xf32, #tpu.memory_space<vmem>>
      %dma_wait3A_694 = tpu.memref_slice %arg6[%add3A_563] : memref<44040192xf32, #tpu.memory_space<hbm>> -> memref<2048xf32, #tpu.memory_space<hbm>>
      %dma_wait3A_695 = tpu.memref_slice %arg6[%add3A_563] : memref<44040192xf32, #tpu.memory_space<hbm>> -> memref<2048xf32, #tpu.memory_space<hbm>>
      %dma_wait3A_696 = arith.constant 38912 : i32
      %dma_wait3A_697 = tpu.memref_slice %arg10[%dma_wait3A_696] : memref<43008xf32, #tpu.memory_space<vmem>> -> memref<2048xf32, #tpu.memory_space<vmem>>
      tpu.wait_dma2 semaphore(%arg16 : memref<!tpu.dma_semaphore, #tpu.memory_space<semaphore_mem>>) src(%dma_wait3A_697 : memref<2048xf32, #tpu.memory_space<vmem>>) dst(%dma_wait3A_695 : memref<2048xf32, #tpu.memory_space<hbm>>)
      %dma_wait3A_698 = arith.constant 40960 : i32
      %dma_wait3A_699 = tpu.memref_slice %arg10[%dma_wait3A_698] : memref<43008xf32, #tpu.memory_space<vmem>> -> memref<2048xf32, #tpu.memory_space<vmem>>
      %dma_wait3A_700 = tpu.memref_slice %arg6[%add3A_571] : memref<44040192xf32, #tpu.memory_space<hbm>> -> memref<2048xf32, #tpu.memory_space<hbm>>
      %dma_wait3A_701 = tpu.memref_slice %arg6[%add3A_571] : memref<44040192xf32, #tpu.memory_space<hbm>> -> memref<2048xf32, #tpu.memory_space<hbm>>
      %dma_wait3A_702 = arith.constant 40960 : i32
      %dma_wait3A_703 = tpu.memref_slice %arg10[%dma_wait3A_702] : memref<43008xf32, #tpu.memory_space<vmem>> -> memref<2048xf32, #tpu.memory_space<vmem>>
      tpu.wait_dma2 semaphore(%arg16 : memref<!tpu.dma_semaphore, #tpu.memory_space<semaphore_mem>>) src(%dma_wait3A_703 : memref<2048xf32, #tpu.memory_space<vmem>>) dst(%dma_wait3A_701 : memref<2048xf32, #tpu.memory_space<hbm>>)
      %scan3A_704 = arith.constant 0 : i32
      scf.yield %scan3A_704 : i32
    }
    %scan3A_7 = arith.constant 16 : i32
    return
  }
}

</mosaic_0001>

<sc_bundles>
// kernel: kernel.3.cloned.1.call-start
scs
__scs_entry_jumppad:
0x0: {  	(pc) =	sbr.rel $0x88, $3  }
0x1: {  	(tag) =	ssettag $0x0;
	lr =	simm.s32 $0x1  }
0x2: {  	[smem:$0x3F9B] =	sst lr;
	_ =	strace $0xD0000000  }
0x3: {  	_ = 	snop  }
0x4: {  	_ = 	snop  }
0x5: {  	_ = 	snop  }
0x6: {  	_ = 	snop  }
0x7: {  	_ = 	snop  }
__scs_overlays_trampoline_lowered:
0x8: {  	[smem:$0x3FAA] =	sst s0  }
0x9: {  	[smem:$0x3FAB] =	sst s1  }
0xa: {  	[smem:$0x3FAC] =	sst s2  }
0xb: {  	[smem:$0x3FAD] =	sst s3  }
0xc: {  	[smem:$0x3FAE] =	sst s4  }
0xd: {  	[smem:$0x3FAF] =	sst s5  }
0xe: {  	[smem:$0x3FB0] =	sst s6  }
0xf: {  	[smem:$0x3FB1] =	sst s7  }
0x10: {  	[smem:$0x3FB2] =	sst s8  }
0x11: {  	[smem:$0x3FB3] =	sst s9;
	s0 =	simm.s32 @!p0 $0x0  }
0x12: {  	s1 =	sld [smem:$0x3F99];
	s0 =	simm.s32 @p0 $0x1  }
0x13: {  	[smem:$0x3FB4] =	sst s0;
	s0 =	simm.s32 @!p1 $0x0  }
0x14: {  	s2 =	sld [smem:$0x3F98];
	s0 =	simm.s32 @p1 $0x1  }
0x15: {  	[smem:$0x3FB5] =	sst s0;
	s0 =	simm.s32 @!p2 $0x0  }
0x16: {  	s3 =	sld [smem:$0x3FDB];
	s0 =	simm.s32 @p2 $0x1  }
0x17: {  	s4 =	simm.s32 $0x1BF5;
	[smem:$0x3FB7] =	sst s0  }
0x18: {  	s0 =	sld [smem:$0x3F9A];
	_ =	swait.ge [sflag:s4], $0x0  }
0x19: {  	s7 =	sld [smem:$0x3F9B]  }
0x1a: {  	s8 =	sadd.s32 $0xFFFFE003, lr  }
0x1b: {  	s9 =	sadd.s32 $0xFFFFFEF7, lr;
	s5 =	simm.s32 $0xFFFFFFFF;
	p2 =	slt.u32 s8, $0xFFFFF086  }
0x1c: {  	p1 =	slt.u32 s9, $0xF7A;
	s5 =	simm.s32 @!p2 $0x0  }
0x1d: {  	s5 =	simm.s32 @p1 $0x1;
	p0 =	seq.s32 s7, s2  }
0x1e: {  	s7 =	smul.u32 @!p0 $0xF7A, s2;
	p2 =	seq.s32 @!p0 s5, $0x0  }
0x1f: {  	s9 =	smul.u32 $0xF7A, s1;
	s8 =	simm.s32 @!p0 $0x1BF5;
	p2 =	por !p2, p0  }
0x20: {  	[sflag:s8] =	ssyncset.s32 @!p0 $0xFFFFF086;
	s6 =	sadd.s32 @!p0 s3, s7;
	s7 =	simm.s32 @!p0 $0x108  }
0x21: {  	s3 =	sadd.s32 s3, s9;
	s6 =	sadd.s32 @!p0 $0x88, s6;
	s7 =	simm.s32 @p2 $0x1082  }
0x22: {  	[simem:s7], [sflag:s8] =	dma.local @!p0 [hbm:s6], $0xF7A  }
0x23: {  	s9 =	sor.u32 $0xD0000000, s2;
	s6 =	simm.s32 $0x108;
	_ =	swait.ge @!p0 [sflag:s8], $0x0  }
0x24: {  	s3 =	sadd.s32 $0x88, s3;
	s6 =	simm.s32 @!p1 $0x1082;
	[sflag:s4] =	ssyncset.s32 $0xFFFFF086  }
0x25: {  	[simem:s6], [sflag:s4] =	dma.local [hbm:s3], $0xF7A  }
0x26: {  	[smem:$0x3F9B] =	sst s1;
	(tag) =	ssettag s2;
	_ =	strace s9  }
0x27: {  	s1 =	sld [smem:$0x3FAB]  }
0x28: {  	s2 =	sld [smem:$0x3FAC]  }
0x29: {  	s4 =	sld [smem:$0x3FAE]  }
0x2a: {  	p0 =	seq.s32 s5, $0x0;
	s5 =	sld [smem:$0x3FAF]  }
0x2b: {  	s6 =	sld [smem:$0x3FB0]  }
0x2c: {  	s7 =	sld [smem:$0x3FB1]  }
0x2d: {  	s3 =	simm.s32 $0x108;
	s8 =	sld [smem:$0x3FB2]  }
0x2e: {  	s3 =	simm.s32 @!p0 $0x1082;
	s9 =	sld [smem:$0x3FB3]  }
0x2f: {  	lr =	sadd.s32 s0, s3;
	s0 =	sld [smem:$0x3FAA]  }
0x30: {  	s3 =	sld [smem:$0x3FAD]  }
0x31: {  	[smem:$0x3FB6] =	sst s10  }
0x32: {  	s10 =	sld [smem:$0x3FB4];
	_ =	sdelay $0x3  }
0x33: {  	p0 =	seq.s32 s10, $0x1;
	s10 =	sld [smem:$0x3FB6];
	_ =	sdelay $0x3  }
0x34: {  	[smem:$0x3FB6] =	sst s10  }
0x35: {  	s10 =	sld [smem:$0x3FB5];
	_ =	sdelay $0x3  }
0x36: {  	p1 =	seq.s32 s10, $0x1;
	s10 =	sld [smem:$0x3FB6];
	_ =	sdelay $0x3  }
0x37: {  	[smem:$0x3FB6] =	sst s10  }
0x38: {  	s10 =	sld [smem:$0x3FB7]  }
0x39: {  	_ = 	snop;
	(pc) =	sbr.ind lr, $3  }
0x3a: {  	_ = 	snop  }
0x3b: {  	_ = 	snop  }
0x3c: {  	p2 =	seq.s32 s10, $0x1;
	s10 =	sld [smem:$0x3FB6]  }
0x3d: {  	_ =	shalt  }
0x3e: {  	_ =	shalt  }
0x3f: {  	_ =	shalt  }
0x40: {  	_ =	shalt  }
0x41: {  	_ =	shalt  }
0x42: {  	_ =	shalt  }
0x43: {  	_ =	shalt  }
0x44: {  	_ =	shalt  }
0x45: {  	_ =	shalt  }
0x46: {  	_ =	shalt  }
0x47: {  	_ =	shalt  }
0x48: {  	_ =	shalt  }
0x49: {  	_ =	shalt  }
0x4a: {  	_ =	shalt  }
0x4b: {  	_ =	shalt  }
0x4c: {  	_ =	shalt  }
0x4d: {  	_ =	shalt  }
0x4e: {  	_ =	shalt  }
0x4f: {  	_ =	shalt  }
0x50: {  	_ =	shalt  }
0x51: {  	_ =	shalt  }
0x52: {  	_ =	shalt  }
0x53: {  	_ =	shalt  }
0x54: {  	_ =	shalt  }
0x55: {  	_ =	shalt  }
0x56: {  	_ =	shalt  }
0x57: {  	_ =	shalt  }
0x58: {  	_ =	shalt  }
0x59: {  	_ =	shalt  }
0x5a: {  	_ =	shalt  }
0x5b: {  	_ =	shalt  }
0x5c: {  	_ =	shalt  }
0x5d: {  	_ =	shalt  }
0x5e: {  	_ =	shalt  }
0x5f: {  	_ =	shalt  }
0x60: {  	_ =	shalt  }
0x61: {  	_ =	shalt  }
0x62: {  	_ =	shalt  }
0x63: {  	_ =	shalt  }
0x64: {  	_ =	shalt  }
0x65: {  	_ =	shalt  }
0x66: {  	_ =	shalt  }
0x67: {  	_ =	shalt  }
0x68: {  	_ =	shalt  }
0x69: {  	_ =	shalt  }
0x6a: {  	_ =	shalt  }
0x6b: {  	_ =	shalt  }
0x6c: {  	_ =	shalt  }
0x6d: {  	_ =	shalt  }
0x6e: {  	_ =	shalt  }
0x6f: {  	_ =	shalt  }
0x70: {  	_ =	shalt  }
0x71: {  	_ =	shalt  }
0x72: {  	_ =	shalt  }
0x73: {  	_ =	shalt  }
0x74: {  	_ =	shalt  }
0x75: {  	_ =	shalt  }
0x76: {  	_ =	shalt  }
0x77: {  	_ =	shalt  }
0x78: {  	_ =	shalt  }
0x79: {  	_ =	shalt  }
0x7a: {  	_ =	shalt  }
0x7b: {  	_ =	shalt  }
0x7c: {  	_ =	shalt  }
0x7d: {  	_ =	shalt  }
0x7e: {  	_ =	shalt  }
0x7f: {  	_ =	shalt  }
0x80: {  	_ =	shalt  }
0x81: {  	_ =	shalt  }
0x82: {  	_ =	shalt  }
0x83: {  	_ =	shalt  }
0x84: {  	_ =	shalt  }
0x85: {  	_ =	shalt  }
0x86: {  	_ =	shalt  }
0x87: {  	_ =	shalt  }
.Lfunc_end0:
.L_simem_size_0:
called_computation_lowered:
.L_overlay_start_0:
0x88: {  	s2 =	sld [smem:$0x3FD9]  }
0x89: {  	s3 =	sld [smem:$0x3FFE];
	_ =	sdelay $0x1  }
0x8a: {  	s1 =	srdreg.scid  }
0x8b: {  	s0 =	sand.u32 $0x1, s1  }
0x8c: {  	s17 =	sshll.u32 s0, $0xA;
	s2 =	sadd.s32 s3, s2  }
0x8d: {  	s2 =	sadd.s32 s2, s17  }
0x8e: {  	[smem:$0x3FC2] =	sst s2  }
0x8f: {  	_ = 	snop  }
0x90: {  	s2 =	sld [smem:$0x3FD0];
	(tm) =	ssettm $0x1  }
0x91: {  	s18 =	sld [smem:$0x3FFB];
	_ =	sdelay $0x3  }
0x92: {  	_ =	strace s18  }
0x93: {  	s3 =	sld [smem:$0x3FFC];
	_ =	sdelay $0x3  }
0x94: {  	_ =	strace s3  }
0x95: {  	s3 =	sld [smem:$0x3FFD];
	_ =	sdelay $0x3  }
0x96: {  	_ =	strace s3  }
0x97: {  	_ =	strace $0x8FFFFFFF  }
0x98: {  	s19 =	sld [smem:$0x3FDB];
	_ =	sdelay $0x1  }
0x99: {  	s4 =	simm.s32 $_scs_section_size  }
0x9a: {  	s5 =	simm.s32 $_size__tile_overlayer_lowered;
	s6 =	simm.s32 $_tile_overlayer_lowered  }
0x9b: {  	s22 =	simm.s32 $0x1BFF;
	s21 =	sshll.u32 s6, $0x1;
	s3 =	sadd.s32 s4, s19  }
0x9c: {  	s7 =	simm.s32 $0x0;
	s20 =	sshll.u32 s5, $0x1;
	s5 =	sadd.s32 s21, s3  }
0x9d: {  	[timem:s7], [sflag:s22] =	dma.local [hbm:s5], s20  }
0x9e: {  	_ =	swait.ge [sflag:s22], s20  }
0x9f: {  	s4 =	ssub.s32 $0x0, s20;
	[sflag:s22] =	ssyncset.done $0x0  }
0xa0: {  	[sflag:s22] =	ssyncadd.s32 s4;
	_ =	sdelay $0x1  }
0xa1: {  	s23 =	simm.s32 $0x1B8B  }
0xa2: {  	_ =	swait.ge [sflag:s23], $0x1  }
0xa3: {  	[sflag:s23] =	ssyncset.done $0x0  }
0xa4: {  	s25 =	simm.s32 $0x1B8E;
	s24 =	sld [smem:$0x3FFE];
	[sflag:s23] =	ssyncadd.s32 $0xFFFFFFFF  }
0xa5: {  	s26 =	simm.s32 $execute0_lowered;
	[smem:$0x3FD2] =	sst s25  }
0xa6: {  	s5 =	sshll.u32 s26, $0x1;
	_ =	strace $0x80000046;
	[dreg:$0x1] =	wrdreg $0xFFFFFFFF  }
0xa7: {  	s28 =	simm.s32 $_size_execute0_lowered;
	s3 =	sadd.s32 s3, s5;
	[dreg:$0x0] =	wrdreg $0x0  }
0xa8: {  	s5 =	sshll.u32 s28, $0x1;
	[dreg:$0x2] =	wrdreg s3  }
0xa9: {  	[dreg:$0x3] =	wrdreg s5  }
0xaa: {  	[dreg:$0x4] =	wrdreg $0xC0  }
0xab: {  	_ =	task [dreg:s7], $0x5FFFF  }
0xac: {  	[dreg:$0x1] =	wrdreg $0xFFFFFFFF  }
0xad: {  	[dreg:$0x0] =	wrdreg $0x60  }
0xae: {  	[dreg:$0x2] =	wrdreg s2  }
0xaf: {  	[dreg:$0x3] =	wrdreg s24  }
0xb0: {  	[dreg:$0x4] =	wrdreg $0x9  }
0xb1: {  	_ =	task.clear_ibuf [dreg:s7], $0x5FFFF;
	_ =	strace $0x90000046  }
0xb2: {  	s29 =	simm.s32 $0x9;
	_ =	strace $0x80000048  }
0xb3: {  	_ =	swait.ge [sflag:s29], $0x1  }
0xb4: {  	[sflag:s29] =	ssyncadd.s32 $0xFFFFFFFF  }
0xb5: {  	_ =	strace $0x90000048  }
0xb6: {  	_ =	sfence  }
0xb7: {  	s30 =	sld [smem:$0x0];
	_ =	sdelay $0x2  }
0xb8: {  	s31 =	sshll.u32 s1, $0xD;
	s1 =	sshrl.u32 s1, $0x2  }
0xb9: {  	s3 =	sand.u32 $0x4000, s31;
	s1 =	sadd.s32 s1, s30  }
0xba: {  	s0 =	sor.u32 s3, s0;
	s1 =	sshll.u32 s1, $0x11  }
0xbb: {  	s0 =	sor.u32 s1, s0  }
0xbc: {  	s0 =	sadd.s32 $0x8F2B, s0  }
0xbd: {  	[sflag:s0] =	ssyncadd.remote.s32 $0x1  }
0xbe: {  	_ =	sfence.sel $0xFFFF  }
0xbf: {  	[dreg:$0x0] =	wrdreg $0xFFFFFFFF;
	(pc) =	sbr.abs _section_cstart, $3  }
0xc0: {  	[dreg:$0x1] =	wrdreg $0xFFFFFFFF  }
0xc1: {  	_ =	task.clear_ibuf [dreg:s7], $0x2FFFF;
	_ =	strace $0x9FFFFFFF  }
0xc2: {  	(tm) =	ssettm $0x7FFFFFFF  }
0xc3: {  	_ =	shalt  }
tec
execute0_lowered:
.L_overlay_start_1:
0x0: {  	(tag) =	ssettag $0x1  }
0x1: {  	s1 =	rddreg [dreg:$0x0]  }
0x2: {  	s0 =	rddreg [dreg:$0x1];
	s2 =	simm.s32 $0x0;
	s3 =	srdreg.scid  }
0x3: {  	s6 =	stileid.u32;
	s11 =	simm.s32 $0x1000;
	s13 =	simm.s32 $0xB800  }
0x4: {  	s15 =	simm.s32 $0x16000;
	s17 =	simm.s32 $0x1;
	s12 =	simm.s32 $0x2  }
0x5: {  	s28 =	simm.s32 $0x10800;
	s29 =	simm.s32 $0x11000;
	s30 =	simm.s32 $0x11800  }
0x6: {  	s31 =	simm.s32 $0x12000;
	s14 =	simm.s32 $0x13800;
	s16 =	simm.s32 $0x14000  }
0x7: {  	s10 =	simm.s32 $0x15800;
	s18 =	simm.s32 $0x4;
	s20 =	simm.s32 $0x0  }
0x8: {  	[smem:$0x7FF] =	sst s2;
	s3 =	sand.u32 $0x1, s3;
	s4 =	sadd.s32 $0x400, s0  }
0x9: {  	s5 =	sadd.s32 $0x600, s0;
	s22 =	sadd.s32 $0x800, s0;
	s7 =	sadd.s32 $0x1E00, s0  }
0xa: {  	s25 =	sshll.u32 s6, $0x6;
	_ =	strace $0x80000047;
	[dreg:$0x3] =	wrdreg s4  }
0xb: {  	s26 =	sshrl.u32 s6, $0x1;
	s6 =	simm.s32 $0x3;
	[dreg:$0x4] =	wrdreg s5  }
0xc: {  	s21 =	ssub.s32 $0x2, s3;
	[dreg:$0x5] =	wrdreg s22;
	s3 =	sshll.u32 s3, $0x5  }
0xd: {  	s9 =	smul.u32 $0x540000, s26;
	s26 =	simm.s32 $0x10000;
	s23 =	sshrl.u32 s21, $0x1  }
0xe: {  	s4 =	simm.s32 $0x13000;
	s5 =	simm.s32 $0x15000;
	s24 =	ssub.s32 s21, s23  }
0xf: {  	s8 =	sor.u32 s3, s25;
	s25 =	simm.s32 $0xF800;
	s0 =	smax.u32 s24, $0x1  }
0x10: {  	v0 =	vlaneseq.u32;
	v1 =	vimm.f32 $0.0e+00;
	s3 =	simm.s32 $0x14800;
	[dreg:$0x6] =	wrdreg s0;
	s0 =	simm.s32 $0x12800  }
.LBB2_1:
0x11: {  	[dreg:$0x7] =	wrdreg s20  }
0x12: {  	s19 =	rddreg [dreg:$0x5];
	s20 =	simm.s32 $0x5  }
0x13: {  	[tilespmem:s11], [sflag:$0x5] =	stream.linear.gather [hbm4b:s19+s2], $0xA800, $0x38;
	[tilespmem:$0x16100] =	vst v63  }
0x14: {  	_ =	swait.ge [sflag:s20], $0xA800  }
0x15: {  	[sflag:s20] =	ssyncset.done $0x0  }
0x16: {  	[sflag:s20] =	ssyncadd.s32 $0xFFFF5800  }
0x17: {  	[tilespmem:s13], [sflag:$0x5] =	stream.linear.gather [hbm4b:s19+s2], $0xA800, $0x38;
	[tilespmem:$0x16100] =	vst v63  }
0x18: {  	_ =	swait.ge [sflag:s20], $0xA800  }
0x19: {  	[sflag:s20] =	ssyncset.done $0x0  }
0x1a: {  	[sflag:s20] =	ssyncadd.s32 $0xFFFF5800  }
0x1b: {  	[tilespmem:s2], [sflag:$0x5] =	stream.linear.gather [hbm4b:s1+s2], $0x800, $0x38;
	[tilespmem:$0x16100] =	vst v63  }
0x1c: {  	_ =	swait.ge [sflag:s20], $0x800  }
0x1d: {  	[sflag:s20] =	ssyncset.done $0x0  }
0x1e: {  	s22 =	simm.s32 $0x800;
	[sflag:s20] =	ssyncadd.s32 $0xFFFFF800  }
0x1f: {  	[tilespmem:s22], [sflag:$0x5] =	stream.linear.gather [hbm4b:s1+s2], $0x800, $0x38;
	[tilespmem:$0x16100] =	vst v63  }
0x20: {  	_ =	swait.ge [sflag:s20], $0x800  }
0x21: {  	[sflag:s20] =	ssyncset.done $0x0  }
0x22: {  	s23 =	rddreg [dreg:$0x3];
	[sflag:s20] =	ssyncadd.s32 $0xFFFFF800  }
0x23: {  	[tilespmem:s15], [sflag:$0x5] =	stream.linear.gather [hbm4b:s23+s2], $0x80, $0x38;
	[tilespmem:$0x16100] =	vst v63  }
0x24: {  	_ =	swait.ge [sflag:s20], $0x80  }
0x25: {  	[sflag:s20] =	ssyncset.done $0x0  }
0x26: {  	s21 =	simm.s32 $0x16080;
	s24 =	rddreg [dreg:$0x4];
	[sflag:s20] =	ssyncadd.s32 $0xFFFFFF80  }
0x27: {  	[tilespmem:s21], [sflag:$0x5] =	stream.linear.gather [hbm4b:s24+s2], $0x80, $0x38;
	[tilespmem:$0x16100] =	vst v63  }
0x28: {  	_ =	swait.ge [sflag:s20], $0x80  }
0x29: {  	[sflag:s20] =	ssyncset.done $0x0  }
0x2a: {  	[sflag:s20] =	ssyncadd.s32 $0xFFFFFF80  }
0x2b: {  	s19 =	simm.s32 $0x0;
	v2 =	vld [tilespmem:$0x16080]  }
.LBB2_2:
0x2c: {  	s20 =	simm.s32 $0x0  }
0x2d: {  	s21 =	simm.s32 $0x10;
	s22 =	simm.s32 $0x0;
	v3 =	vld [tilespmem:s20+$0x0]  }
.LBB2_3:
0x2e: {  	p0 =	sne.s32 s21, $0x7F0;
	_ =	sdelay $0x3  }
0x2f: {  	vm0 =	vgt.s32 v3, $0x0  }
0x30: {  	v4 =	vnsel vm0, $0x0, v3  }
0x31: {  	v4 =	vmin.u32 v4, $0x14  }
0x32: {  	v4 =	vshll.u32 v4, $0xB  }
0x33: {  	vm0 =	vne.s32 v3, v2;
	v3 =	vadd.s32 s20, v4;
	s20 =	smov.u32 s21  }
0x34: {  	v3 =	vadd.s32 v0, v3;
	_ =	sdelay $0x1  }
.Ltmp0:
0x35: {  	(pc) =	sbr.rel @p0 .LBB2_3-.Ltmp0, $3  }
0x36: {  	_ =	sdelay $0x1  }
0x37: {  	s22 =	sadd.s32 $0x10, s22;
	[tilespmem:v3+s11+$0x0] =	vst.idx.msk vm0, v1  }
0x38: {  	s21 =	sadd.s32 $0x10, s21;
	v3 =	vld [tilespmem:s22+$0x0]  }
0x39: {  	_ =	sdelay $0x3  }
0x3a: {  	vm0 =	vgt.s32 v3, $0x0  }
0x3b: {  	v4 =	vnsel vm0, $0x0, v3  }
0x3c: {  	v4 =	vmin.u32 v4, $0x14  }
0x3d: {  	v4 =	vshll.u32 v4, $0xB  }
0x3e: {  	vm15 =	vne.s32 v3, v2;
	v3 =	vadd.s32 s20, v4  }
0x3f: {  	v3 =	vadd.s32 v0, v3;
	_ =	sdelay $0x1  }
0x40: {  	s24 =	sshll.u32 s19, $0x1  }
0x41: {  	s20 =	sor.u32 s8, s24  }
0x42: {  	s21 =	sshll.u32 s20, $0x8  }
0x43: {  	s22 =	sadd.s32 s1, s21;
	s21 =	simm.s32 $0x0;
	[tilespmem:v3+s11+$0x0] =	vst.idx.msk vm15, v1  }
0x44: {  	[tilespmem:s21], [sflag:$0x1] =	stream.linear.gather [hbm4b:s22+s21], $0x800, $0x38;
	[tilespmem:$0x16100] =	vst v63  }
0x45: {  	_ =	swait.ge [sflag:s17], $0x800  }
0x46: {  	[sflag:s17] =	ssyncset.done $0x0  }
0x47: {  	[sflag:s17] =	ssyncadd.s32 $0xFFFFF800  }
0x48: {  	s23 =	simm.s32 $0x0;
	s22 =	simm.s32 $0x10;
	v3 =	vld [tilespmem:s21+$0x0]  }
.LBB2_5:
0x49: {  	p0 =	sne.s32 s22, $0x7F0;
	_ =	sdelay $0x3  }
0x4a: {  	vm0 =	vgt.s32 v3, $0x0  }
0x4b: {  	v4 =	vnsel vm0, $0x0, v3  }
0x4c: {  	v4 =	vmin.u32 v4, $0x14;
	_ =	sdelay $0x3  }
0x4d: {  	v5 =	vshll.u32 v4, $0xB  }
0x4e: {  	vm0 =	vne.s32 v3, v2;
	v3 =	vadd.s32 s21, v5;
	s21 =	smov.u32 s22;
	v4 =	vld.idx.msk [tilespmem:v4+s15+$0x0], $0xffff  }
0x4f: {  	v3 =	vadd.s32 v0, v3;
	_ =	sdelay $0x1  }
.Ltmp1:
0x50: {  	(pc) =	sbr.rel @p0 .LBB2_5-.Ltmp1, $3  }
0x51: {  	_ =	sdelay $0x1  }
0x52: {  	s23 =	sadd.s32 $0x10, s23;
	[tilespmem:v3+s11+$0x0] =	vst.idx.msk vm0, v4  }
0x53: {  	s22 =	sadd.s32 $0x10, s22;
	v3 =	vld [tilespmem:s23+$0x0]  }
0x54: {  	_ =	sdelay $0x3  }
0x55: {  	vm0 =	vgt.s32 v3, $0x0  }
0x56: {  	v4 =	vnsel vm0, $0x0, v3  }
0x57: {  	v4 =	vmin.u32 v4, $0x14;
	_ =	sdelay $0x2  }
0x58: {  	v5 =	vshll.u32 v4, $0xB  }
0x59: {  	vm15 =	vne.s32 v3, v2;
	v3 =	vadd.s32 s21, v5  }
0x5a: {  	v3 =	vadd.s32 v0, v3;
	v4 =	vld.idx.msk [tilespmem:v4+s15+$0x0], $0xffff  }
0x5b: {  	s23 =	sshll.u32 s20, $0xB  }
0x5c: {  	s21 =	sand.u32 $0x3F000, s23  }
0x5d: {  	s21 =	sor.u32 s9, s21  }
0x5e: {  	s21 =	sshrl.u32 s21, $0x3  }
0x5f: {  	s22 =	sadd.s32 s7, s21;
	s21 =	simm.s32 $0x0;
	[tilespmem:v3+s11+$0x0] =	vst.idx.msk vm15, v4  }
0x60: {  	[hbm4b:s22+s21] =	stream.linear.scatter [tilespmem:s11], [sflag:$0x3], $0x800, $0x38;
	[tilespmem:$0x16100] =	vst v63  }
0x61: {  	s24 =	simm.s32 $0x1800;
	s23 =	sadd.s32 $0x8000, s22  }
0x62: {  	[hbm4b:s23+s21] =	stream.linear.scatter [tilespmem:s24], [sflag:$0x3], $0x800, $0x38;
	[tilespmem:$0x16100] =	vst v63  }
0x63: {  	s23 =	sadd.s32 $0x10000, s22;
	s24 =	simm.s32 $0x2000  }
0x64: {  	[hbm4b:s23+s21] =	stream.linear.scatter [tilespmem:s24], [sflag:$0x3], $0x800, $0x38;
	[tilespmem:$0x16100] =	vst v63  }
0x65: {  	s23 =	sadd.s32 $0x18000, s22;
	s24 =	simm.s32 $0x2800  }
0x66: {  	[hbm4b:s23+s21] =	stream.linear.scatter [tilespmem:s24], [sflag:$0x3], $0x800, $0x38;
	[tilespmem:$0x16100] =	vst v63  }
0x67: {  	s23 =	sadd.s32 $0x20000, s22;
	s24 =	simm.s32 $0x3000  }
0x68: {  	[hbm4b:s23+s21] =	stream.linear.scatter [tilespmem:s24], [sflag:$0x3], $0x800, $0x38;
	[tilespmem:$0x16100] =	vst v63  }
0x69: {  	s23 =	sadd.s32 $0x28000, s22;
	s24 =	simm.s32 $0x3800  }
0x6a: {  	[hbm4b:s23+s21] =	stream.linear.scatter [tilespmem:s24], [sflag:$0x3], $0x800, $0x38;
	[tilespmem:$0x16100] =	vst v63  }
0x6b: {  	s23 =	sadd.s32 $0x30000, s22;
	s24 =	simm.s32 $0x4000  }
0x6c: {  	[hbm4b:s23+s21] =	stream.linear.scatter [tilespmem:s24], [sflag:$0x3], $0x800, $0x38;
	[tilespmem:$0x16100] =	vst v63  }
0x6d: {  	s23 =	sadd.s32 $0x38000, s22;
	s24 =	simm.s32 $0x4800  }
0x6e: {  	[hbm4b:s23+s21] =	stream.linear.scatter [tilespmem:s24], [sflag:$0x3], $0x800, $0x38;
	[tilespmem:$0x16100] =	vst v63  }
0x6f: {  	s23 =	sadd.s32 $0x40000, s22;
	s24 =	simm.s32 $0x5000  }
0x70: {  	[hbm4b:s23+s21] =	stream.linear.scatter [tilespmem:s24], [sflag:$0x3], $0x800, $0x38;
	[tilespmem:$0x16100] =	vst v63  }
0x71: {  	s23 =	sadd.s32 $0x48000, s22;
	s24 =	simm.s32 $0x5800  }
0x72: {  	[hbm4b:s23+s21] =	stream.linear.scatter [tilespmem:s24], [sflag:$0x3], $0x800, $0x38;
	[tilespmem:$0x16100] =	vst v63  }
0x73: {  	s23 =	sadd.s32 $0x50000, s22;
	s24 =	simm.s32 $0x6000  }
0x74: {  	[hbm4b:s23+s21] =	stream.linear.scatter [tilespmem:s24], [sflag:$0x3], $0x800, $0x38;
	[tilespmem:$0x16100] =	vst v63  }
0x75: {  	s23 =	sadd.s32 $0x58000, s22;
	s24 =	simm.s32 $0x6800  }
0x76: {  	[hbm4b:s23+s21] =	stream.linear.scatter [tilespmem:s24], [sflag:$0x3], $0x800, $0x38;
	[tilespmem:$0x16100] =	vst v63  }
0x77: {  	s23 =	sadd.s32 $0x60000, s22;
	s24 =	simm.s32 $0x7000  }
0x78: {  	[hbm4b:s23+s21] =	stream.linear.scatter [tilespmem:s24], [sflag:$0x3], $0x800, $0x38;
	[tilespmem:$0x16100] =	vst v63  }
0x79: {  	s23 =	sadd.s32 $0x68000, s22;
	s24 =	simm.s32 $0x7800  }
0x7a: {  	[hbm4b:s23+s21] =	stream.linear.scatter [tilespmem:s24], [sflag:$0x3], $0x800, $0x38;
	[tilespmem:$0x16100] =	vst v63  }
0x7b: {  	s23 =	sadd.s32 $0x70000, s22;
	s24 =	simm.s32 $0x8000  }
0x7c: {  	[hbm4b:s23+s21] =	stream.linear.scatter [tilespmem:s24], [sflag:$0x3], $0x800, $0x38;
	[tilespmem:$0x16100] =	vst v63  }
0x7d: {  	s23 =	sadd.s32 $0x78000, s22;
	s24 =	simm.s32 $0x8800  }
0x7e: {  	[hbm4b:s23+s21] =	stream.linear.scatter [tilespmem:s24], [sflag:$0x3], $0x800, $0x38;
	[tilespmem:$0x16100] =	vst v63  }
0x7f: {  	s23 =	sadd.s32 $0x80000, s22;
	s24 =	simm.s32 $0x9000  }
0x80: {  	[hbm4b:s23+s21] =	stream.linear.scatter [tilespmem:s24], [sflag:$0x3], $0x800, $0x38;
	[tilespmem:$0x16100] =	vst v63  }
0x81: {  	s23 =	sadd.s32 $0x88000, s22;
	s24 =	simm.s32 $0x9800  }
0x82: {  	[hbm4b:s23+s21] =	stream.linear.scatter [tilespmem:s24], [sflag:$0x3], $0x800, $0x38;
	[tilespmem:$0x16100] =	vst v63  }
0x83: {  	s23 =	sadd.s32 $0x90000, s22;
	s24 =	simm.s32 $0xA000  }
0x84: {  	[hbm4b:s23+s21] =	stream.linear.scatter [tilespmem:s24], [sflag:$0x3], $0x800, $0x38;
	[tilespmem:$0x16100] =	vst v63  }
0x85: {  	s23 =	sadd.s32 $0x98000, s22;
	s24 =	simm.s32 $0xA800  }
0x86: {  	[hbm4b:s23+s21] =	stream.linear.scatter [tilespmem:s24], [sflag:$0x3], $0x800, $0x38;
	[tilespmem:$0x16100] =	vst v63  }
0x87: {  	s22 =	sadd.s32 $0xA0000, s22;
	s24 =	simm.s32 $0xB000  }
0x88: {  	[hbm4b:s22+s21] =	stream.linear.scatter [tilespmem:s24], [sflag:$0x3], $0x800, $0x38;
	[tilespmem:$0x16100] =	vst v63  }
0x89: {  	_ =	swait.ge [sflag:s6], $0x800  }
0x8a: {  	[sflag:s6] =	ssyncset.done $0x0  }
0x8b: {  	[sflag:s6] =	ssyncadd.s32 $0xFFFFF800  }
0x8c: {  	_ =	swait.ge [sflag:s6], $0x800  }
0x8d: {  	[sflag:s6] =	ssyncset.done $0x0  }
0x8e: {  	[sflag:s6] =	ssyncadd.s32 $0xFFFFF800  }
0x8f: {  	_ =	swait.ge [sflag:s6], $0x800  }
0x90: {  	[sflag:s6] =	ssyncset.done $0x0  }
0x91: {  	[sflag:s6] =	ssyncadd.s32 $0xFFFFF800  }
0x92: {  	_ =	swait.ge [sflag:s6], $0x800  }
0x93: {  	[sflag:s6] =	ssyncset.done $0x0  }
0x94: {  	[sflag:s6] =	ssyncadd.s32 $0xFFFFF800  }
0x95: {  	_ =	swait.ge [sflag:s6], $0x800  }
0x96: {  	[sflag:s6] =	ssyncset.done $0x0  }
0x97: {  	[sflag:s6] =	ssyncadd.s32 $0xFFFFF800  }
0x98: {  	_ =	swait.ge [sflag:s6], $0x800  }
0x99: {  	[sflag:s6] =	ssyncset.done $0x0  }
0x9a: {  	[sflag:s6] =	ssyncadd.s32 $0xFFFFF800  }
0x9b: {  	_ =	swait.ge [sflag:s6], $0x800  }
0x9c: {  	[sflag:s6] =	ssyncset.done $0x0  }
0x9d: {  	[sflag:s6] =	ssyncadd.s32 $0xFFFFF800  }
0x9e: {  	_ =	swait.ge [sflag:s6], $0x800  }
0x9f: {  	[sflag:s6] =	ssyncset.done $0x0  }
0xa0: {  	[sflag:s6] =	ssyncadd.s32 $0xFFFFF800  }
0xa1: {  	_ =	swait.ge [sflag:s6], $0x800  }
0xa2: {  	[sflag:s6] =	ssyncset.done $0x0  }
0xa3: {  	[sflag:s6] =	ssyncadd.s32 $0xFFFFF800  }
0xa4: {  	_ =	swait.ge [sflag:s6], $0x800  }
0xa5: {  	[sflag:s6] =	ssyncset.done $0x0  }
0xa6: {  	[sflag:s6] =	ssyncadd.s32 $0xFFFFF800  }
0xa7: {  	_ =	swait.ge [sflag:s6], $0x800  }
0xa8: {  	[sflag:s6] =	ssyncset.done $0x0  }
0xa9: {  	[sflag:s6] =	ssyncadd.s32 $0xFFFFF800  }
0xaa: {  	_ =	swait.ge [sflag:s6], $0x800  }
0xab: {  	[sflag:s6] =	ssyncset.done $0x0  }
0xac: {  	[sflag:s6] =	ssyncadd.s32 $0xFFFFF800  }
0xad: {  	_ =	swait.ge [sflag:s6], $0x800  }
0xae: {  	[sflag:s6] =	ssyncset.done $0x0  }
0xaf: {  	[sflag:s6] =	ssyncadd.s32 $0xFFFFF800  }
0xb0: {  	_ =	swait.ge [sflag:s6], $0x800  }
0xb1: {  	[sflag:s6] =	ssyncset.done $0x0  }
0xb2: {  	[sflag:s6] =	ssyncadd.s32 $0xFFFFF800  }
0xb3: {  	_ =	swait.ge [sflag:s6], $0x800  }
0xb4: {  	[sflag:s6] =	ssyncset.done $0x0  }
0xb5: {  	[sflag:s6] =	ssyncadd.s32 $0xFFFFF800  }
0xb6: {  	_ =	swait.ge [sflag:s6], $0x800  }
0xb7: {  	[sflag:s6] =	ssyncset.done $0x0  }
0xb8: {  	[sflag:s6] =	ssyncadd.s32 $0xFFFFF800  }
0xb9: {  	_ =	swait.ge [sflag:s6], $0x800  }
0xba: {  	[sflag:s6] =	ssyncset.done $0x0  }
0xbb: {  	[sflag:s6] =	ssyncadd.s32 $0xFFFFF800  }
0xbc: {  	_ =	swait.ge [sflag:s6], $0x800  }
0xbd: {  	[sflag:s6] =	ssyncset.done $0x0  }
0xbe: {  	[sflag:s6] =	ssyncadd.s32 $0xFFFFF800  }
0xbf: {  	_ =	swait.ge [sflag:s6], $0x800  }
0xc0: {  	[sflag:s6] =	ssyncset.done $0x0  }
0xc1: {  	[sflag:s6] =	ssyncadd.s32 $0xFFFFF800  }
0xc2: {  	_ =	swait.ge [sflag:s6], $0x800  }
0xc3: {  	[sflag:s6] =	ssyncset.done $0x0  }
0xc4: {  	[sflag:s6] =	ssyncadd.s32 $0xFFFFF800  }
0xc5: {  	_ =	swait.ge [sflag:s6], $0x800  }
0xc6: {  	[sflag:s6] =	ssyncset.done $0x0  }
0xc7: {  	s22 =	simm.s32 $0x800;
	[sflag:s6] =	ssyncadd.s32 $0xFFFFF800  }
0xc8: {  	s23 =	simm.s32 $0x10;
	v3 =	vld [tilespmem:s22+$0x0]  }
.LBB2_7:
0xc9: {  	p0 =	sne.s32 s23, $0x7F0;
	_ =	sdelay $0x3  }
0xca: {  	vm0 =	vgt.s32 v3, $0x0  }
0xcb: {  	v4 =	vnsel vm0, $0x0, v3  }
0xcc: {  	v4 =	vmin.u32 v4, $0x14  }
0xcd: {  	v4 =	vshll.u32 v4, $0xB  }
0xce: {  	vm0 =	vne.s32 v3, v2;
	v3 =	vadd.s32 s21, v4;
	s21 =	smov.u32 s23  }
0xcf: {  	v3 =	vadd.s32 v0, v3;
	_ =	sdelay $0x1  }
.Ltmp2:
0xd0: {  	(pc) =	sbr.rel @p0 .LBB2_7-.Ltmp2, $3  }
0xd1: {  	_ =	sdelay $0x1  }
0xd2: {  	s22 =	sadd.s32 $0x10, s22;
	[tilespmem:v3+s13+$0x0] =	vst.idx.msk vm0, v1  }
0xd3: {  	s23 =	sadd.s32 $0x10, s23;
	v3 =	vld [tilespmem:s22+$0x0]  }
0xd4: {  	_ =	sdelay $0x3  }
0xd5: {  	vm0 =	vgt.s32 v3, $0x0  }
0xd6: {  	v4 =	vnsel vm0, $0x0, v3  }
0xd7: {  	v4 =	vmin.u32 v4, $0x14  }
0xd8: {  	v4 =	vshll.u32 v4, $0xB  }
0xd9: {  	vm15 =	vne.s32 v3, v2;
	v3 =	vadd.s32 s21, v4  }
0xda: {  	v3 =	vadd.s32 v0, v3;
	_ =	sdelay $0x2  }
0xdb: {  	s20 =	sor.u32 $0x1, s20  }
0xdc: {  	s24 =	sshll.u32 s20, $0x8  }
0xdd: {  	s22 =	simm.s32 $0x800;
	s23 =	sadd.s32 s1, s24;
	s21 =	simm.s32 $0x0;
	[tilespmem:v3+s13+$0x0] =	vst.idx.msk vm15, v1  }
0xde: {  	[tilespmem:s22], [sflag:$0x2] =	stream.linear.gather [hbm4b:s23+s21], $0x800, $0x38;
	[tilespmem:$0x16100] =	vst v63  }
0xdf: {  	_ =	swait.ge [sflag:s12], $0x800  }
0xe0: {  	[sflag:s12] =	ssyncset.done $0x0  }
0xe1: {  	[sflag:s12] =	ssyncadd.s32 $0xFFFFF800  }
0xe2: {  	s23 =	simm.s32 $0x10;
	v3 =	vld [tilespmem:s22+$0x0]  }
.LBB2_9:
0xe3: {  	p0 =	sne.s32 s23, $0x7F0;
	_ =	sdelay $0x3  }
0xe4: {  	vm0 =	vgt.s32 v3, $0x0  }
0xe5: {  	v4 =	vnsel vm0, $0x0, v3  }
0xe6: {  	v4 =	vmin.u32 v4, $0x14;
	_ =	sdelay $0x3  }
0xe7: {  	v5 =	vshll.u32 v4, $0xB  }
0xe8: {  	vm0 =	vne.s32 v3, v2;
	v3 =	vadd.s32 s21, v5;
	s21 =	smov.u32 s23;
	v4 =	vld.idx.msk [tilespmem:v4+s15+$0x0], $0xffff  }
0xe9: {  	v3 =	vadd.s32 v0, v3;
	_ =	sdelay $0x1  }
.Ltmp3:
0xea: {  	(pc) =	sbr.rel @p0 .LBB2_9-.Ltmp3, $3  }
0xeb: {  	_ =	sdelay $0x1  }
0xec: {  	s22 =	sadd.s32 $0x10, s22;
	[tilespmem:v3+s13+$0x0] =	vst.idx.msk vm0, v4  }
0xed: {  	s23 =	sadd.s32 $0x10, s23;
	v3 =	vld [tilespmem:s22+$0x0]  }
0xee: {  	_ =	sdelay $0x3  }
0xef: {  	vm0 =	vgt.s32 v3, $0x0  }
0xf0: {  	v4 =	vnsel vm0, $0x0, v3  }
0xf1: {  	v4 =	vmin.u32 v4, $0x14;
	_ =	sdelay $0x2  }
0xf2: {  	v5 =	vshll.u32 v4, $0xB  }
0xf3: {  	vm15 =	vne.s32 v3, v2;
	v3 =	vadd.s32 s21, v5  }
0xf4: {  	v3 =	vadd.s32 v0, v3;
	v4 =	vld.idx.msk [tilespmem:v4+s15+$0x0], $0xffff  }
0xf5: {  	s20 =	sshll.u32 s20, $0xB  }
0xf6: {  	s20 =	sand.u32 $0x3F800, s20  }
0xf7: {  	s20 =	sor.u32 s9, s20  }
0xf8: {  	s20 =	sshrl.u32 s20, $0x3  }
0xf9: {  	s20 =	sadd.s32 s7, s20;
	[tilespmem:v3+s13+$0x0] =	vst.idx.msk vm15, v4  }
0xfa: {  	[hbm4b:s20+s2] =	stream.linear.scatter [tilespmem:s13], [sflag:$0x4], $0x800, $0x38;
	[tilespmem:$0x16100] =	vst v63  }
0xfb: {  	s22 =	simm.s32 $0xC000;
	s24 =	sadd.s32 $0x8000, s20  }
0xfc: {  	[hbm4b:s24+s2] =	stream.linear.scatter [tilespmem:s22], [sflag:$0x4], $0x800, $0x38;
	[tilespmem:$0x16100] =	vst v63  }
0xfd: {  	s23 =	sadd.s32 $0x10000, s20;
	s24 =	simm.s32 $0xC800  }
0xfe: {  	[hbm4b:s23+s2] =	stream.linear.scatter [tilespmem:s24], [sflag:$0x4], $0x800, $0x38;
	[tilespmem:$0x16100] =	vst v63  }
0xff: {  	s23 =	sadd.s32 $0x18000, s20;
	s24 =	simm.s32 $0xD000  }
0x100: {  	[hbm4b:s23+s2] =	stream.linear.scatter [tilespmem:s24], [sflag:$0x4], $0x800, $0x38;
	[tilespmem:$0x16100] =	vst v63  }
0x101: {  	s23 =	sadd.s32 $0x20000, s20;
	s24 =	simm.s32 $0xD800  }
0x102: {  	[hbm4b:s23+s2] =	stream.linear.scatter [tilespmem:s24], [sflag:$0x4], $0x800, $0x38;
	[tilespmem:$0x16100] =	vst v63  }
0x103: {  	s23 =	sadd.s32 $0x28000, s20;
	s24 =	simm.s32 $0xE000  }
0x104: {  	[hbm4b:s23+s2] =	stream.linear.scatter [tilespmem:s24], [sflag:$0x4], $0x800, $0x38;
	[tilespmem:$0x16100] =	vst v63  }
0x105: {  	s23 =	sadd.s32 $0x30000, s20;
	s24 =	simm.s32 $0xE800  }
0x106: {  	[hbm4b:s23+s2] =	stream.linear.scatter [tilespmem:s24], [sflag:$0x4], $0x800, $0x38;
	[tilespmem:$0x16100] =	vst v63  }
0x107: {  	s23 =	sadd.s32 $0x38000, s20;
	s24 =	simm.s32 $0xF000  }
0x108: {  	[hbm4b:s23+s2] =	stream.linear.scatter [tilespmem:s24], [sflag:$0x4], $0x800, $0x38;
	[tilespmem:$0x16100] =	vst v63  }
0x109: {  	s22 =	sadd.s32 $0x40000, s20  }
0x10a: {  	[hbm4b:s22+s2] =	stream.linear.scatter [tilespmem:s25], [sflag:$0x4], $0x800, $0x38;
	[tilespmem:$0x16100] =	vst v63  }
0x10b: {  	s23 =	sadd.s32 $0x48000, s20  }
0x10c: {  	[hbm4b:s23+s2] =	stream.linear.scatter [tilespmem:s26], [sflag:$0x4], $0x800, $0x38;
	[tilespmem:$0x16100] =	vst v63  }
0x10d: {  	s24 =	sadd.s32 $0x50000, s20  }
0x10e: {  	[hbm4b:s24+s2] =	stream.linear.scatter [tilespmem:s28], [sflag:$0x4], $0x800, $0x38;
	[tilespmem:$0x16100] =	vst v63  }
0x10f: {  	s22 =	sadd.s32 $0x58000, s20  }
0x110: {  	[hbm4b:s22+s2] =	stream.linear.scatter [tilespmem:s29], [sflag:$0x4], $0x800, $0x38;
	[tilespmem:$0x16100] =	vst v63  }
0x111: {  	s23 =	sadd.s32 $0x60000, s20  }
0x112: {  	[hbm4b:s23+s2] =	stream.linear.scatter [tilespmem:s30], [sflag:$0x4], $0x800, $0x38;
	[tilespmem:$0x16100] =	vst v63  }
0x113: {  	s24 =	sadd.s32 $0x68000, s20  }
0x114: {  	[hbm4b:s24+s2] =	stream.linear.scatter [tilespmem:s31], [sflag:$0x4], $0x800, $0x38;
	[tilespmem:$0x16100] =	vst v63  }
0x115: {  	s22 =	sadd.s32 $0x70000, s20  }
0x116: {  	[hbm4b:s22+s2] =	stream.linear.scatter [tilespmem:s0], [sflag:$0x4], $0x800, $0x38;
	[tilespmem:$0x16100] =	vst v63  }
0x117: {  	s23 =	sadd.s32 $0x78000, s20  }
0x118: {  	[hbm4b:s23+s2] =	stream.linear.scatter [tilespmem:s4], [sflag:$0x4], $0x800, $0x38;
	[tilespmem:$0x16100] =	vst v63  }
0x119: {  	s24 =	sadd.s32 $0x80000, s20  }
0x11a: {  	[hbm4b:s24+s2] =	stream.linear.scatter [tilespmem:s14], [sflag:$0x4], $0x800, $0x38;
	[tilespmem:$0x16100] =	vst v63  }
0x11b: {  	s22 =	sadd.s32 $0x88000, s20  }
0x11c: {  	[hbm4b:s22+s2] =	stream.linear.scatter [tilespmem:s16], [sflag:$0x4], $0x800, $0x38;
	[tilespmem:$0x16100] =	vst v63  }
0x11d: {  	s23 =	sadd.s32 $0x90000, s20  }
0x11e: {  	[hbm4b:s23+s2] =	stream.linear.scatter [tilespmem:s3], [sflag:$0x4], $0x800, $0x38;
	[tilespmem:$0x16100] =	vst v63  }
0x11f: {  	s24 =	sadd.s32 $0x98000, s20  }
0x120: {  	[hbm4b:s24+s2] =	stream.linear.scatter [tilespmem:s5], [sflag:$0x4], $0x800, $0x38;
	[tilespmem:$0x16100] =	vst v63  }
0x121: {  	s20 =	sadd.s32 $0xA0000, s20  }
0x122: {  	[hbm4b:s20+s2] =	stream.linear.scatter [tilespmem:s10], [sflag:$0x4], $0x800, $0x38;
	[tilespmem:$0x16100] =	vst v63  }
0x123: {  	_ =	swait.ge [sflag:s18], $0x800  }
0x124: {  	[sflag:s18] =	ssyncset.done $0x0  }
0x125: {  	[sflag:s18] =	ssyncadd.s32 $0xFFFFF800  }
0x126: {  	_ =	swait.ge [sflag:s18], $0x800  }
0x127: {  	[sflag:s18] =	ssyncset.done $0x0  }
0x128: {  	[sflag:s18] =	ssyncadd.s32 $0xFFFFF800  }
0x129: {  	_ =	swait.ge [sflag:s18], $0x800  }
0x12a: {  	[sflag:s18] =	ssyncset.done $0x0  }
0x12b: {  	[sflag:s18] =	ssyncadd.s32 $0xFFFFF800  }
0x12c: {  	_ =	swait.ge [sflag:s18], $0x800  }
0x12d: {  	[sflag:s18] =	ssyncset.done $0x0  }
0x12e: {  	[sflag:s18] =	ssyncadd.s32 $0xFFFFF800  }
0x12f: {  	_ =	swait.ge [sflag:s18], $0x800  }
0x130: {  	[sflag:s18] =	ssyncset.done $0x0  }
0x131: {  	[sflag:s18] =	ssyncadd.s32 $0xFFFFF800  }
0x132: {  	_ =	swait.ge [sflag:s18], $0x800  }
0x133: {  	[sflag:s18] =	ssyncset.done $0x0  }
0x134: {  	[sflag:s18] =	ssyncadd.s32 $0xFFFFF800  }
0x135: {  	_ =	swait.ge [sflag:s18], $0x800  }
0x136: {  	[sflag:s18] =	ssyncset.done $0x0  }
0x137: {  	[sflag:s18] =	ssyncadd.s32 $0xFFFFF800  }
0x138: {  	_ =	swait.ge [sflag:s18], $0x800  }
0x139: {  	[sflag:s18] =	ssyncset.done $0x0  }
0x13a: {  	[sflag:s18] =	ssyncadd.s32 $0xFFFFF800  }
0x13b: {  	_ =	swait.ge [sflag:s18], $0x800  }
0x13c: {  	[sflag:s18] =	ssyncset.done $0x0  }
0x13d: {  	[sflag:s18] =	ssyncadd.s32 $0xFFFFF800  }
0x13e: {  	_ =	swait.ge [sflag:s18], $0x800  }
0x13f: {  	[sflag:s18] =	ssyncset.done $0x0  }
0x140: {  	[sflag:s18] =	ssyncadd.s32 $0xFFFFF800  }
0x141: {  	_ =	swait.ge [sflag:s18], $0x800  }
0x142: {  	[sflag:s18] =	ssyncset.done $0x0  }
0x143: {  	[sflag:s18] =	ssyncadd.s32 $0xFFFFF800  }
0x144: {  	_ =	swait.ge [sflag:s18], $0x800  }
0x145: {  	[sflag:s18] =	ssyncset.done $0x0  }
0x146: {  	[sflag:s18] =	ssyncadd.s32 $0xFFFFF800  }
0x147: {  	_ =	swait.ge [sflag:s18], $0x800  }
0x148: {  	[sflag:s18] =	ssyncset.done $0x0  }
0x149: {  	[sflag:s18] =	ssyncadd.s32 $0xFFFFF800  }
0x14a: {  	_ =	swait.ge [sflag:s18], $0x800  }
0x14b: {  	[sflag:s18] =	ssyncset.done $0x0  }
0x14c: {  	[sflag:s18] =	ssyncadd.s32 $0xFFFFF800  }
0x14d: {  	_ =	swait.ge [sflag:s18], $0x800  }
0x14e: {  	[sflag:s18] =	ssyncset.done $0x0  }
0x14f: {  	[sflag:s18] =	ssyncadd.s32 $0xFFFFF800  }
0x150: {  	_ =	swait.ge [sflag:s18], $0x800  }
0x151: {  	[sflag:s18] =	ssyncset.done $0x0  }
0x152: {  	[sflag:s18] =	ssyncadd.s32 $0xFFFFF800  }
0x153: {  	_ =	swait.ge [sflag:s18], $0x800  }
0x154: {  	[sflag:s18] =	ssyncset.done $0x0  }
0x155: {  	[sflag:s18] =	ssyncadd.s32 $0xFFFFF800  }
0x156: {  	_ =	swait.ge [sflag:s18], $0x800  }
0x157: {  	[sflag:s18] =	ssyncset.done $0x0  }
0x158: {  	[sflag:s18] =	ssyncadd.s32 $0xFFFFF800  }
0x159: {  	_ =	swait.ge [sflag:s18], $0x800  }
0x15a: {  	[sflag:s18] =	ssyncset.done $0x0  }
0x15b: {  	s19 =	sadd.s32 $0x1, s19;
	[sflag:s18] =	ssyncadd.s32 $0xFFFFF800  }
0x15c: {  	p0 =	sne.s32 s19, $0x10;
	_ =	swait.ge [sflag:s18], $0x800  }
.Ltmp4:
0x15d: {  	[sflag:s18] =	ssyncset.done $0x0;
	(pc) =	sbr.rel @p0 .LBB2_2-.Ltmp4, $4  }
0x15e: {  	[sflag:s18] =	ssyncadd.s32 $0xFFFFF800  }
0x15f: {  	_ =	swait.ge [sflag:s18], $0x800  }
0x160: {  	[sflag:s18] =	ssyncset.done $0x0  }
0x161: {  	[sflag:s18] =	ssyncadd.s32 $0xFFFFF800  }
0x162: {  	s20 =	rddreg [dreg:$0x7]  }
0x163: {  	s19 =	rddreg [dreg:$0x6];
	s20 =	sadd.s32 $0x1, s20  }
0x164: {  	p0 =	sne.s32 s20, s19  }
.Ltmp5:
0x165: {  	_ = 	snop;
	(pc) =	sbr.rel @p0 .LBB2_1-.Ltmp5, $1  }
0x166: {  	_ =	sdelay $0x3  }
0x167: {  	_ =	sfence.sel $0x180000  }
0x168: {  	[bflag:$0x0] =	sbarrier.arrive $0xFFFF  }
0x169: {  	_ =	strace $0x90000047  }
0x16a: {  	s0 =	stileid.u32;
	[bflag:$0x2] =	sbarrier.arrive $0xFFFF  }
0x16b: {  	p0 =	sne.s32 s0, $0x0;
	s0 =	rddreg [dreg:$0x2]  }
0x16c: {  	s0 =	sadd.s32 @!p0 $0x100000, s0  }
0x16d: {  	[sflag:s0] =	ssyncadd.tile.s32 @!p0 $0x1;
	_ =	shalt  }
.Lfunc_end2:
_tile_overlayer_lowered:
.L_overlay_start_2:
0x16e: {  	(tag) =	ssettag $0x2  }
0x16f: {  	s0 =	rddreg [dreg:$0x0];
	s2 =	stileid.u32  }
0x170: {  	s1 =	rddreg [dreg:$0x1];
	p0 =	sne.s32 s2, $0x0  }
0x171: {  	s3 =	rddreg [dreg:$0x2];
	[bflag:$0x3] =	sbarrier.arrive $0xFFFF;
	s2 =	simm.s32 @!p0 $0x1C05  }
0x172: {  	[timem:s3], [sflag:s2] =	dma.local @!p0 [hbm:s0], s1  }
0x173: {  	s0 =	simm.s32 @!p0 $0x5  }
0x174: {  	_ =	swait.ge @!p0 [sflag:s0], s1  }
0x175: {  	s1 =	ssub.s32 @!p0 $0x0, s1;
	[sflag:s0] =	ssyncset.done @!p0 $0x0  }
0x176: {  	[sflag:s0] =	ssyncadd.s32 @!p0 s1  }
0x177: {  	[bflag:$0x3] =	sbarrier.arrive $0xFFFF  }
0x178: {  	_ =	shalt  }

</sc_bundles>
